<compile_context>
chip_gen: v7x
topology: tpu7x:2x2x1
jax: 0.10.2.dev20260603
libtpu: 0.0.44.dev20260713+nightly
codegen_flags: <defaults>
</compile_context>

<pallas_src>
import functools

import jax
import jax.numpy as jnp
from jax import lax
from jax.experimental import pallas as pl
from jax.experimental.pallas import tpu as pltpu
from jax.experimental.pallas import tpu_sc as plsc

N_INST = 10000
N_FG = 500000
CH = 400
G = CH // 16
NCHUNK = N_FG // CH
NW = 32
NPAIR = (NCHUNK // NW + 1 + 1) // 2


def _prep_body(pt_ref, tab_ref):
    h = pt_ref[6:7, :]
    tab_ref[...] = jnp.concatenate(
        [jnp.cos(h), jnp.sin(h), pt_ref[0:3, :], pt_ref[3:6, :] * 0.5],
        axis=0)


def _prep(pt):
    return pl.pallas_call(
        _prep_body,
        out_shape=jax.ShapeDtypeStruct((8, N_INST), jnp.float32),
    )(pt)


_COL_SRC = (
    0, 1, 2,
    4, 5, 8,
    4, 6, 8,
    4, 6, 7,
    4, 5, 7,
    3, 5, 8,
    3, 6, 8,
    3, 6, 7,
    3, 5, 7,
)


def _sc_body(table_hbm, fgx_hbm, fgy_hbm, fgz_hbm, idx_hbm, out_hbm,
             table_v, idx_vs, fgx_vs, fgy_vs, fgz_vs, out_vs,
             sem_ins, sem_outs):
    info = plsc.get_sparse_core_info()
    nw = info.num_cores * info.num_subcores
    wid = lax.axis_index("s") * info.num_cores + lax.axis_index("c")
    nmine = (NCHUNK - 1 - wid) // nw + 1

    pltpu.sync_copy(table_hbm, table_v)

    def in_dmas(i, b):
        base = (wid + i * nw) * CH
        sl = pl.ds(base, CH)
        return (
            pltpu.make_async_copy(idx_hbm.at[sl], idx_vs[b], sem_ins[b]),
            pltpu.make_async_copy(fgx_hbm.at[sl], fgx_vs[b], sem_ins[b]),
            pltpu.make_async_copy(fgy_hbm.at[sl], fgy_vs[b], sem_ins[b]),
            pltpu.make_async_copy(fgz_hbm.at[sl], fgz_vs[b], sem_ins[b]),
        )

    def out_dmas(i, b):
        base = (wid + i * nw) * CH
        return [
            pltpu.make_async_copy(
                out_vs[b], out_hbm.at[pl.ds(base * 27, CH * 27)],
                sem_outs[b])
        ]

    def compute(b):
        idx_v, out_v = idx_vs[b], out_vs[b]
        fgx_v, fgy_v, fgz_v = fgx_vs[b], fgy_vs[b], fgz_vs[b]

        lane = lax.iota(jnp.int32, 16)

        @plsc.parallel_loop(0, G, unroll=2)
        def _(g):
            off = g * 16
            pidx = idx_v[pl.ds(off, 16)]
            f = [plsc.load_gather(table_v, [pidx + c * N_INST])
                 for c in range(8)]
            cosv, sinv, cx, cy, cz, dx, dy, dz = f
            p1 = fgx_v[pl.ds(off, 16)]
            p2 = fgy_v[pl.ds(off, 16)]
            p3 = fgz_v[pl.ds(off, 16)]
            fibx = cosv * p1 - sinv * p2 + cx
            fiby = sinv * p1 + cosv * p2 + cy
            fibz = p3 + cz
            src = (fibx, fiby, fibz,
                   fibx + dx, fibx - dx,
                   fiby + dy, fiby - dy,
                   fibz + dz, fibz - dz)
            rows27 = (off + lane) * 27
            for c in range(27):
                plsc.store_scatter(out_v, [rows27 + c], src[_COL_SRC[c]])

    for b in (0, 1):
        for d in in_dmas(b, b):
            d.start()

    def pair_body(i2, _):
        for b in (0, 1):
            i = i2 * 2 + b

            @pl.when(i < nmine)
            def _():
                for d in in_dmas(i, b):
                    d.wait()

                @pl.when(i >= 2)
                def _():
                    for d in out_dmas(i - 2, b):
                        d.wait()

                compute(b)
                for d in out_dmas(i, b):
                    d.start()

                @pl.when(i + 2 < nmine)
                def _():
                    for d in in_dmas(i + 2, b):
                        d.start()
        return 0

    lax.fori_loop(0, NPAIR, pair_body, 0, unroll=False)

    for b in (0, 1):
        for d in out_dmas(b, b):
            d.wait()


@functools.partial(jax.jit, static_argnums=())
def _sc_main(table, fgx, fgy, fgz, idx):
    mesh = plsc.VectorSubcoreMesh(core_axis_name="c", subcore_axis_name="s")
    return pl.kernel(
        _sc_body,
        out_type=jax.ShapeDtypeStruct((27 * N_FG,), jnp.float32),
        mesh=mesh,
        compiler_params=pltpu.CompilerParams(
            needs_layout_passes=False, use_tc_tiling_on_sc=False),
        scratch_types=[
            pltpu.VMEM((8 * N_INST,), jnp.float32),
            [pltpu.VMEM((CH,), jnp.int32) for _ in range(2)],
            [pltpu.VMEM((CH,), jnp.float32) for _ in range(2)],
            [pltpu.VMEM((CH,), jnp.float32) for _ in range(2)],
            [pltpu.VMEM((CH,), jnp.float32) for _ in range(2)],
            [pltpu.VMEM((27 * CH,), jnp.float32) for _ in range(2)],
            [pltpu.SemaphoreType.DMA for _ in range(2)],
            [pltpu.SemaphoreType.DMA for _ in range(2)],
        ],
    )(table, fgx, fgy, fgz, idx)


def kernel(pred_boxes, fg, inst_bi_inv_indices):
    idx = inst_bi_inv_indices.astype(jnp.int32)
    table = _prep(pred_boxes.T).reshape(-1)
    out = _sc_main(table, fg[:, 1], fg[:, 2], fg[:, 3], idx)
    return out.reshape(N_FG, 27)

# --- scband reference (transcript-rebuilt; emitter-appended) ---
"""Pipeline reference for scband-aligner-head-24215025615003 (READ-ONLY COPY).

The authoritative reference and input builder live on the scoring server;
editing this copy changes nothing except your own understanding.
"""

import jax, jax.numpy as jnp
import numpy as np

N_INST = 10000
N_FG = 500000


def setup_inputs(seed: int = 0) -> dict:
    key = jax.random.key(seed)
    k1, k2, k3 = jax.random.split(key, 3)
    pred_boxes = jax.random.normal(k1, (N_INST, 7), dtype=jnp.float32)
    fg = jax.random.normal(k2, (N_FG, 5), dtype=jnp.float32)
    inst_bi_inv_indices = jax.random.randint(k3, (N_FG,), 0, N_INST, dtype=jnp.int64 if jax.config.jax_enable_x64 else jnp.int32)
    return {"pred_boxes": pred_boxes, "fg": fg, "inst_bi_inv_indices": inst_bi_inv_indices}


def _generate_corners(boxes):
    x = jnp.array([1, 1, 1, 1, -1, -1, -1, -1], dtype=jnp.float32)
    y = jnp.array([-1, 1, 1, -1, -1, 1, 1, -1], dtype=jnp.float32)
    z = jnp.array([1, 1, -1, -1, 1, 1, -1, -1], dtype=jnp.float32)
    corners = jnp.stack([x, y, z], axis=1)  # (8, 3)
    corners = corners[None, :, :] * boxes[:, 3:6][:, None, :] / 2.0  # (N, 8, 3)
    return corners


def reference(pred_boxes, fg, inst_bi_inv_indices):
    cos = jnp.cos(pred_boxes[:, -1])
    sin = jnp.sin(pred_boxes[:, -1])
    c_x, c_y, c_z = pred_boxes[:, 0], pred_boxes[:, 1], pred_boxes[:, 2]
    zeros = jnp.zeros(pred_boxes.shape[0], dtype=pred_boxes.dtype)
    ones = jnp.ones(pred_boxes.shape[0], dtype=pred_boxes.dtype)
    tf_world_from_boxes = jnp.stack(
        [cos, -sin, zeros, c_x,
         sin, cos, zeros, c_y,
         zeros, zeros, ones, c_z], axis=1).reshape(-1, 3, 4)
    tf_for_fg = jnp.take(tf_world_from_boxes, inst_bi_inv_indices, axis=0)  # (N_fg, 3, 4) gather
    fg_in_box = jnp.einsum('bij,bj->bi', tf_for_fg[..., :3], fg[:, 1:4]) + tf_for_fg[..., -1]
    corners = _generate_corners(pred_boxes)  # (N_inst, 8, 3)
    corners_for_fg = jnp.take(corners, inst_bi_inv_indices, axis=0)  # (N_fg, 8, 3) gather
    fg_pos_embed = fg_in_box[:, None, :] - corners_for_fg  # (N_fg, 8, 3)
    fg_pos_embed = jnp.concatenate([fg_in_box[:, None, :], fg_pos_embed], axis=1)  # (N_fg, 9, 3)
    fg_pos_embed = fg_pos_embed.reshape(fg_pos_embed.shape[0], 27)
    return fg_pos_embed


if False:  # reference __main__ guard neutralized (emitter)
    inp = setup_inputs()
    out = reference(**inp)
    print(out.shape, out.dtype)

if __name__ == "__main__":
    import jax
    _d = setup_inputs()
    print(jax.jit(kernel)(*tuple(_d.values())))

</pallas_src>

<mosaic_0001>
#map = affine_map<(d0, d1) -> (0)>
module attributes {stable_mosaic.version = 14 : i64} {
  func.func @_sc_body(%arg0: i32, %arg1: i32, %arg2: memref<80000xf32, #tpu.memory_space<hbm>>, %arg3: memref<500000xf32, #tpu.memory_space<hbm>>, %arg4: memref<500000xf32, #tpu.memory_space<hbm>>, %arg5: memref<500000xf32, #tpu.memory_space<hbm>>, %arg6: memref<500000xi32, #tpu.memory_space<hbm>>, %arg7: memref<13500000xf32, #tpu.memory_space<hbm>>, %arg8: memref<80000xf32, #tpu.memory_space<vmem>>, %arg9: memref<400xi32, #tpu.memory_space<vmem>>, %arg10: memref<400xi32, #tpu.memory_space<vmem>>, %arg11: memref<400xf32, #tpu.memory_space<vmem>>, %arg12: memref<400xf32, #tpu.memory_space<vmem>>, %arg13: memref<400xf32, #tpu.memory_space<vmem>>, %arg14: memref<400xf32, #tpu.memory_space<vmem>>, %arg15: memref<400xf32, #tpu.memory_space<vmem>>, %arg16: memref<400xf32, #tpu.memory_space<vmem>>, %arg17: memref<10800xf32, #tpu.memory_space<vmem>>, %arg18: memref<10800xf32, #tpu.memory_space<vmem>>, %arg19: memref<!tpu.dma_semaphore, #tpu.memory_space<semaphore_mem>>, %arg20: memref<!tpu.dma_semaphore, #tpu.memory_space<semaphore_mem>>, %arg21: memref<!tpu.dma_semaphore, #tpu.memory_space<semaphore_mem>>, %arg22: memref<!tpu.dma_semaphore, #tpu.memory_space<semaphore_mem>>) attributes {dimension_semantics = [#tpu.dimension_semantics<core_parallel>, #tpu.dimension_semantics<subcore_parallel>], iteration_bounds = array<i64: 2, 16>, scalar_prefetch = 0 : i64, scratch_operands = 15 : i64, tpu.core_type = #tpu.core_type<sc_vector_subcore>, window_params = [{transform_indices = #map}, {transform_indices = #map}, {transform_indices = #map}, {transform_indices = #map}, {transform_indices = #map}, {transform_indices = #map}]} {
    %mul3A = arith.constant 2 : i32
    %mul3A_0 = arith.muli %arg1, %mul3A : i32
    %add3A = arith.addi %mul3A_0, %arg0 : i32
    %sub3A = arith.constant 1249 : i32
    %sub3A_1 = arith.subi %sub3A, %add3A : i32
    %jit3A = arith.constant 32 : i32
    %div3A = arith.divsi %sub3A_1, %jit3A : i32
    %sign3A = arith.constant 0 : i32
    %sign3A_2 = arith.cmpi sgt, %sub3A_1, %sign3A : i32
    %sign3A_3 = arith.extui %sign3A_2 : i1 to i32
    %sign3A_4 = arith.constant 0 : i32
    %sign3A_5 = arith.cmpi slt, %sub3A_1, %sign3A_4 : i32
    %sign3A_6 = arith.extui %sign3A_5 : i1 to i32
    %sign3A_7 = arith.subi %sign3A_3, %sign3A_6 : i32
    %sign3A_8 = arith.constant 0 : i32
    %sign3A_9 = arith.cmpi sgt, %jit3A, %sign3A_8 : i32
    %sign3A_10 = arith.extui %sign3A_9 : i1 to i32
    %sign3A_11 = arith.constant 0 : i32
    %sign3A_12 = arith.cmpi slt, %jit3A, %sign3A_11 : i32
    %sign3A_13 = arith.extui %sign3A_12 : i1 to i32
    %sign3A_14 = arith.subi %sign3A_10, %sign3A_13 : i32
    %ne3A = arith.cmpi ne, %sign3A_7, %sign3A_14 : i32
    %rem3A = arith.remsi %sub3A_1, %jit3A : i32
    %ne3A_15 = arith.constant 0 : i32
    %ne3A_16 = arith.cmpi ne, %rem3A, %ne3A_15 : i32
    %and3A = arith.andi %ne3A, %ne3A_16 : i1
    %sub3A_17 = arith.constant 1 : i32
    %sub3A_18 = arith.subi %div3A, %sub3A_17 : i32
    %select_n3A = arith.select %and3A, %sub3A_18, %div3A : i32
    %add3A_19 = arith.constant 1 : i32
    %add3A_20 = arith.addi %select_n3A, %add3A_19 : i32
    "tpu.region"() ({
      %run_scoped3A = tpu.sem_alloc : memref<!tpu.dma_semaphore, #tpu.memory_space<semaphore_mem>>
      tpu.enqueue_dma source(%arg2 : memref<80000xf32, #tpu.memory_space<hbm>>) target(%arg8 : memref<80000xf32, #tpu.memory_space<vmem>>) target_semaphore(%run_scoped3A : memref<!tpu.dma_semaphore, #tpu.memory_space<semaphore_mem>>)
      tpu.wait_dma2 semaphore(%run_scoped3A : memref<!tpu.dma_semaphore, #tpu.memory_space<semaphore_mem>>) src(%arg2 : memref<80000xf32, #tpu.memory_space<hbm>>) dst(%arg8 : memref<80000xf32, #tpu.memory_space<vmem>>)
      tpu.yield
    }) : () -> ()
    %add3A_21 = arith.constant 0 : i32
    %add3A_22 = arith.addi %add3A, %add3A_21 : i32
    %mul3A_23 = arith.constant 400 : i32
    %mul3A_24 = arith.muli %add3A_22, %mul3A_23 : i32
    %dma_start3A = tpu.memref_slice %arg6[%mul3A_24] : memref<500000xi32, #tpu.memory_space<hbm>> -> memref<400xi32, #tpu.memory_space<hbm>>
    %dma_start3A_25 = tpu.memref_slice %arg6[%mul3A_24] : memref<500000xi32, #tpu.memory_space<hbm>> -> memref<400xi32, #tpu.memory_space<hbm>>
    tpu.enqueue_dma source(%dma_start3A_25 : memref<400xi32, #tpu.memory_space<hbm>>) target(%arg9 : memref<400xi32, #tpu.memory_space<vmem>>) target_semaphore(%arg19 : memref<!tpu.dma_semaphore, #tpu.memory_space<semaphore_mem>>)
    %dma_start3A_26 = tpu.memref_slice %arg3[%mul3A_24] : memref<500000xf32, #tpu.memory_space<hbm>> -> memref<400xf32, #tpu.memory_space<hbm>>
    %dma_start3A_27 = tpu.memref_slice %arg3[%mul3A_24] : memref<500000xf32, #tpu.memory_space<hbm>> -> memref<400xf32, #tpu.memory_space<hbm>>
    tpu.enqueue_dma source(%dma_start3A_27 : memref<400xf32, #tpu.memory_space<hbm>>) target(%arg11 : memref<400xf32, #tpu.memory_space<vmem>>) target_semaphore(%arg19 : memref<!tpu.dma_semaphore, #tpu.memory_space<semaphore_mem>>)
    %dma_start3A_28 = tpu.memref_slice %arg4[%mul3A_24] : memref<500000xf32, #tpu.memory_space<hbm>> -> memref<400xf32, #tpu.memory_space<hbm>>
    %dma_start3A_29 = tpu.memref_slice %arg4[%mul3A_24] : memref<500000xf32, #tpu.memory_space<hbm>> -> memref<400xf32, #tpu.memory_space<hbm>>
    tpu.enqueue_dma source(%dma_start3A_29 : memref<400xf32, #tpu.memory_space<hbm>>) target(%arg13 : memref<400xf32, #tpu.memory_space<vmem>>) target_semaphore(%arg19 : memref<!tpu.dma_semaphore, #tpu.memory_space<semaphore_mem>>)
    %dma_start3A_30 = tpu.memref_slice %arg5[%mul3A_24] : memref<500000xf32, #tpu.memory_space<hbm>> -> memref<400xf32, #tpu.memory_space<hbm>>
    %dma_start3A_31 = tpu.memref_slice %arg5[%mul3A_24] : memref<500000xf32, #tpu.memory_space<hbm>> -> memref<400xf32, #tpu.memory_space<hbm>>
    tpu.enqueue_dma source(%dma_start3A_31 : memref<400xf32, #tpu.memory_space<hbm>>) target(%arg15 : memref<400xf32, #tpu.memory_space<vmem>>) target_semaphore(%arg19 : memref<!tpu.dma_semaphore, #tpu.memory_space<semaphore_mem>>)
    %add3A_32 = arith.constant 32 : i32
    %add3A_33 = arith.addi %add3A, %add3A_32 : i32
    %mul3A_34 = arith.constant 400 : i32
    %mul3A_35 = arith.muli %add3A_33, %mul3A_34 : i32
    %dma_start3A_36 = tpu.memref_slice %arg6[%mul3A_35] : memref<500000xi32, #tpu.memory_space<hbm>> -> memref<400xi32, #tpu.memory_space<hbm>>
    %dma_start3A_37 = tpu.memref_slice %arg6[%mul3A_35] : memref<500000xi32, #tpu.memory_space<hbm>> -> memref<400xi32, #tpu.memory_space<hbm>>
    tpu.enqueue_dma source(%dma_start3A_37 : memref<400xi32, #tpu.memory_space<hbm>>) target(%arg10 : memref<400xi32, #tpu.memory_space<vmem>>) target_semaphore(%arg20 : memref<!tpu.dma_semaphore, #tpu.memory_space<semaphore_mem>>)
    %dma_start3A_38 = tpu.memref_slice %arg3[%mul3A_35] : memref<500000xf32, #tpu.memory_space<hbm>> -> memref<400xf32, #tpu.memory_space<hbm>>
    %dma_start3A_39 = tpu.memref_slice %arg3[%mul3A_35] : memref<500000xf32, #tpu.memory_space<hbm>> -> memref<400xf32, #tpu.memory_space<hbm>>
    tpu.enqueue_dma source(%dma_start3A_39 : memref<400xf32, #tpu.memory_space<hbm>>) target(%arg12 : memref<400xf32, #tpu.memory_space<vmem>>) target_semaphore(%arg20 : memref<!tpu.dma_semaphore, #tpu.memory_space<semaphore_mem>>)
    %dma_start3A_40 = tpu.memref_slice %arg4[%mul3A_35] : memref<500000xf32, #tpu.memory_space<hbm>> -> memref<400xf32, #tpu.memory_space<hbm>>
    %dma_start3A_41 = tpu.memref_slice %arg4[%mul3A_35] : memref<500000xf32, #tpu.memory_space<hbm>> -> memref<400xf32, #tpu.memory_space<hbm>>
    tpu.enqueue_dma source(%dma_start3A_41 : memref<400xf32, #tpu.memory_space<hbm>>) target(%arg14 : memref<400xf32, #tpu.memory_space<vmem>>) target_semaphore(%arg20 : memref<!tpu.dma_semaphore, #tpu.memory_space<semaphore_mem>>)
    %dma_start3A_42 = tpu.memref_slice %arg5[%mul3A_35] : memref<500000xf32, #tpu.memory_space<hbm>> -> memref<400xf32, #tpu.memory_space<hbm>>
    %dma_start3A_43 = tpu.memref_slice %arg5[%mul3A_35] : memref<500000xf32, #tpu.memory_space<hbm>> -> memref<400xf32, #tpu.memory_space<hbm>>
    tpu.enqueue_dma source(%dma_start3A_43 : memref<400xf32, #tpu.memory_space<hbm>>) target(%arg16 : memref<400xf32, #tpu.memory_space<vmem>>) target_semaphore(%arg20 : memref<!tpu.dma_semaphore, #tpu.memory_space<semaphore_mem>>)
    %scan3A = arith.constant 0 : i32
    %scan3A_44 = arith.constant 0 : i32
    %scan3A_45 = arith.constant 20 : i32
    %scan3A_46 = arith.addi %scan3A_44, %scan3A_45 : i32
    %scan3A_47 = arith.constant 1 : i32
    %scan3A_48 = scf.for %scan3A_65 = %scan3A_44 to %scan3A_46 step %scan3A_47 iter_args(%scan3A_66 = %scan3A) -> (i32)  : i32 {
      %mul3A_67 = arith.constant 2 : i32
      %mul3A_68 = arith.muli %scan3A_65, %mul3A_67 : i32
      %add3A_69 = arith.constant 0 : i32
      %add3A_70 = arith.addi %mul3A_68, %add3A_69 : i32
      %lt3A = arith.cmpi slt, %add3A_70, %add3A_20 : i32
      %convert_element_type3A = arith.extui %lt3A : i1 to i32
      %cond3A = arith.constant 0 : i32
      %cond3A_71 = arith.cmpi ne, %convert_element_type3A, %cond3A : i32
      scf.if %cond3A_71 {
        %mul3A_81 = arith.constant 32 : i32
        %mul3A_82 = arith.muli %add3A_70, %mul3A_81 : i32
        %add3A_83 = arith.addi %add3A, %mul3A_82 : i32
        %mul3A_84 = arith.constant 400 : i32
        %mul3A_85 = arith.muli %add3A_83, %mul3A_84 : i32
        %dma_wait3A_86 = tpu.memref_slice %arg6[%mul3A_85] : memref<500000xi32, #tpu.memory_space<hbm>> -> memref<400xi32, #tpu.memory_space<hbm>>
        %dma_wait3A_87 = tpu.memref_slice %arg6[%mul3A_85] : memref<500000xi32, #tpu.memory_space<hbm>> -> memref<400xi32, #tpu.memory_space<hbm>>
        tpu.wait_dma2 semaphore(%arg19 : memref<!tpu.dma_semaphore, #tpu.memory_space<semaphore_mem>>) src(%dma_wait3A_87 : memref<400xi32, #tpu.memory_space<hbm>>) dst(%arg9 : memref<400xi32, #tpu.memory_space<vmem>>)
        %dma_wait3A_88 = tpu.memref_slice %arg3[%mul3A_85] : memref<500000xf32, #tpu.memory_space<hbm>> -> memref<400xf32, #tpu.memory_space<hbm>>
        %dma_wait3A_89 = tpu.memref_slice %arg3[%mul3A_85] : memref<500000xf32, #tpu.memory_space<hbm>> -> memref<400xf32, #tpu.memory_space<hbm>>
        tpu.wait_dma2 semaphore(%arg19 : memref<!tpu.dma_semaphore, #tpu.memory_space<semaphore_mem>>) src(%dma_wait3A_89 : memref<400xf32, #tpu.memory_space<hbm>>) dst(%arg11 : memref<400xf32, #tpu.memory_space<vmem>>)
        %dma_wait3A_90 = tpu.memref_slice %arg4[%mul3A_85] : memref<500000xf32, #tpu.memory_space<hbm>> -> memref<400xf32, #tpu.memory_space<hbm>>
        %dma_wait3A_91 = tpu.memref_slice %arg4[%mul3A_85] : memref<500000xf32, #tpu.memory_space<hbm>> -> memref<400xf32, #tpu.memory_space<hbm>>
        tpu.wait_dma2 semaphore(%arg19 : memref<!tpu.dma_semaphore, #tpu.memory_space<semaphore_mem>>) src(%dma_wait3A_91 : memref<400xf32, #tpu.memory_space<hbm>>) dst(%arg13 : memref<400xf32, #tpu.memory_space<vmem>>)
        %dma_wait3A_92 = tpu.memref_slice %arg5[%mul3A_85] : memref<500000xf32, #tpu.memory_space<hbm>> -> memref<400xf32, #tpu.memory_space<hbm>>
        %dma_wait3A_93 = tpu.memref_slice %arg5[%mul3A_85] : memref<500000xf32, #tpu.memory_space<hbm>> -> memref<400xf32, #tpu.memory_space<hbm>>
        tpu.wait_dma2 semaphore(%arg19 : memref<!tpu.dma_semaphore, #tpu.memory_space<semaphore_mem>>) src(%dma_wait3A_93 : memref<400xf32, #tpu.memory_space<hbm>>) dst(%arg15 : memref<400xf32, #tpu.memory_space<vmem>>)
        %ge3A = arith.constant 2 : i32
        %ge3A_94 = arith.cmpi sge, %add3A_70, %ge3A : i32
        %convert_element_type3A_95 = arith.extui %ge3A_94 : i1 to i32
        %cond3A_96 = arith.constant 0 : i32
        %cond3A_97 = arith.cmpi ne, %convert_element_type3A_95, %cond3A_96 : i32
        scf.if %cond3A_97 {
          %sub3A_115 = arith.constant 2 : i32
          %sub3A_116 = arith.subi %add3A_70, %sub3A_115 : i32
          %mul3A_117 = arith.constant 32 : i32
          %mul3A_118 = arith.muli %sub3A_116, %mul3A_117 : i32
          %add3A_119 = arith.addi %add3A, %mul3A_118 : i32
          %mul3A_120 = arith.constant 400 : i32
          %mul3A_121 = arith.muli %add3A_119, %mul3A_120 : i32
          %mul3A_122 = arith.constant 27 : i32
          %mul3A_123 = arith.muli %mul3A_121, %mul3A_122 : i32
          %dma_wait3A_124 = tpu.memref_slice %arg7[%mul3A_123] : memref<13500000xf32, #tpu.memory_space<hbm>> -> memref<10800xf32, #tpu.memory_space<hbm>>
          %dma_wait3A_125 = tpu.memref_slice %arg7[%mul3A_123] : memref<13500000xf32, #tpu.memory_space<hbm>> -> memref<10800xf32, #tpu.memory_space<hbm>>
          tpu.wait_dma2 semaphore(%arg21 : memref<!tpu.dma_semaphore, #tpu.memory_space<semaphore_mem>>) src(%arg17 : memref<10800xf32, #tpu.memory_space<vmem>>) dst(%dma_wait3A_125 : memref<10800xf32, #tpu.memory_space<hbm>>)
        } else {
        }
        %iota3A = tpu.iota {dimensions = array<i32: 0>} : vector<16xi32>
        %parallel_loop3A = arith.constant 0 : i32
        %parallel_loop3A_98 = arith.constant 25 : i32
        %parallel_loop3A_99 = arith.constant 1 : i32
        scf.for %parallel_loop3A_115 = %parallel_loop3A to %parallel_loop3A_98 step %parallel_loop3A_99  : i32 {
          %parallel_loop3A_116 = arith.constant 16 : i32
          %parallel_loop3A_117 = arith.muli %parallel_loop3A_115, %parallel_loop3A_116 : i32
          %parallel_loop3A_118 = arith.index_cast %parallel_loop3A_117 : i32 to index
          %parallel_loop3A_119 = tpu.vector_load %arg9[%parallel_loop3A_118] {strides = array<i32>} : memref<400xi32, #tpu.memory_space<vmem>>, vector<16xi32>,
          %parallel_loop3A_120 = arith.constant 0 : i32
          %parallel_loop3A_121 = vector.broadcast %parallel_loop3A_120 : i32 to vector<16xi32>
          %parallel_loop3A_122 = arith.addi %parallel_loop3A_119, %parallel_loop3A_121 : vector<16xi32>
          %parallel_loop3A_123 = tpu.vector_load_idx %arg8[%parallel_loop3A_122] : memref<80000xf32, #tpu.memory_space<vmem>>[vector<16xi32>], vector<16xf32>,
          %parallel_loop3A_124 = arith.constant 10000 : i32
          %parallel_loop3A_125 = vector.broadcast %parallel_loop3A_124 : i32 to vector<16xi32>
          %parallel_loop3A_126 = arith.addi %parallel_loop3A_119, %parallel_loop3A_125 : vector<16xi32>
          %parallel_loop3A_127 = tpu.vector_load_idx %arg8[%parallel_loop3A_126] : memref<80000xf32, #tpu.memory_space<vmem>>[vector<16xi32>], vector<16xf32>,
          %parallel_loop3A_128 = arith.constant 20000 : i32
          %parallel_loop3A_129 = vector.broadcast %parallel_loop3A_128 : i32 to vector<16xi32>
          %parallel_loop3A_130 = arith.addi %parallel_loop3A_119, %parallel_loop3A_129 : vector<16xi32>
          %parallel_loop3A_131 = tpu.vector_load_idx %arg8[%parallel_loop3A_130] : memref<80000xf32, #tpu.memory_space<vmem>>[vector<16xi32>], vector<16xf32>,
          %parallel_loop3A_132 = arith.constant 30000 : i32
          %parallel_loop3A_133 = vector.broadcast %parallel_loop3A_132 : i32 to vector<16xi32>
          %parallel_loop3A_134 = arith.addi %parallel_loop3A_119, %parallel_loop3A_133 : vector<16xi32>
          %parallel_loop3A_135 = tpu.vector_load_idx %arg8[%parallel_loop3A_134] : memref<80000xf32, #tpu.memory_space<vmem>>[vector<16xi32>], vector<16xf32>,
          %parallel_loop3A_136 = arith.constant 40000 : i32
          %parallel_loop3A_137 = vector.broadcast %parallel_loop3A_136 : i32 to vector<16xi32>
          %parallel_loop3A_138 = arith.addi %parallel_loop3A_119, %parallel_loop3A_137 : vector<16xi32>
          %parallel_loop3A_139 = tpu.vector_load_idx %arg8[%parallel_loop3A_138] : memref<80000xf32, #tpu.memory_space<vmem>>[vector<16xi32>], vector<16xf32>,
          %parallel_loop3A_140 = arith.constant 50000 : i32
          %parallel_loop3A_141 = vector.broadcast %parallel_loop3A_140 : i32 to vector<16xi32>
          %parallel_loop3A_142 = arith.addi %parallel_loop3A_119, %parallel_loop3A_141 : vector<16xi32>
          %parallel_loop3A_143 = tpu.vector_load_idx %arg8[%parallel_loop3A_142] : memref<80000xf32, #tpu.memory_space<vmem>>[vector<16xi32>], vector<16xf32>,
          %parallel_loop3A_144 = arith.constant 60000 : i32
          %parallel_loop3A_145 = vector.broadcast %parallel_loop3A_144 : i32 to vector<16xi32>
          %parallel_loop3A_146 = arith.addi %parallel_loop3A_119, %parallel_loop3A_145 : vector<16xi32>
          %parallel_loop3A_147 = tpu.vector_load_idx %arg8[%parallel_loop3A_146] : memref<80000xf32, #tpu.memory_space<vmem>>[vector<16xi32>], vector<16xf32>,
          %parallel_loop3A_148 = arith.constant 70000 : i32
          %parallel_loop3A_149 = vector.broadcast %parallel_loop3A_148 : i32 to vector<16xi32>
          %parallel_loop3A_150 = arith.addi %parallel_loop3A_119, %parallel_loop3A_149 : vector<16xi32>
          %parallel_loop3A_151 = tpu.vector_load_idx %arg8[%parallel_loop3A_150] : memref<80000xf32, #tpu.memory_space<vmem>>[vector<16xi32>], vector<16xf32>,
          %parallel_loop3A_152 = arith.index_cast %parallel_loop3A_117 : i32 to index
          %parallel_loop3A_153 = tpu.vector_load %arg11[%parallel_loop3A_152] {strides = array<i32>} : memref<400xf32, #tpu.memory_space<vmem>>, vector<16xf32>,
          %parallel_loop3A_154 = arith.index_cast %parallel_loop3A_117 : i32 to index
          %parallel_loop3A_155 = tpu.vector_load %arg13[%parallel_loop3A_154] {strides = array<i32>} : memref<400xf32, #tpu.memory_space<vmem>>, vector<16xf32>,
          %parallel_loop3A_156 = arith.index_cast %parallel_loop3A_117 : i32 to index
          %parallel_loop3A_157 = tpu.vector_load %arg15[%parallel_loop3A_156] {strides = array<i32>} : memref<400xf32, #tpu.memory_space<vmem>>, vector<16xf32>,
          %parallel_loop3A_158 = arith.mulf %parallel_loop3A_123, %parallel_loop3A_153 : vector<16xf32>
          %parallel_loop3A_159 = arith.mulf %parallel_loop3A_127, %parallel_loop3A_155 : vector<16xf32>
          %parallel_loop3A_160 = arith.subf %parallel_loop3A_158, %parallel_loop3A_159 : vector<16xf32>
          %parallel_loop3A_161 = arith.addf %parallel_loop3A_160, %parallel_loop3A_131 : vector<16xf32>
          %parallel_loop3A_162 = arith.mulf %parallel_loop3A_127, %parallel_loop3A_153 : vector<16xf32>
          %parallel_loop3A_163 = arith.mulf %parallel_loop3A_123, %parallel_loop3A_155 : vector<16xf32>
          %parallel_loop3A_164 = arith.addf %parallel_loop3A_162, %parallel_loop3A_163 : vector<16xf32>
          %parallel_loop3A_165 = arith.addf %parallel_loop3A_164, %parallel_loop3A_135 : vector<16xf32>
          %parallel_loop3A_166 = arith.addf %parallel_loop3A_157, %parallel_loop3A_139 : vector<16xf32>
          %parallel_loop3A_167 = arith.addf %parallel_loop3A_161, %parallel_loop3A_143 : vector<16xf32>
          %parallel_loop3A_168 = arith.subf %parallel_loop3A_161, %parallel_loop3A_143 : vector<16xf32>
          %parallel_loop3A_169 = arith.addf %parallel_loop3A_165, %parallel_loop3A_147 : vector<16xf32>
          %parallel_loop3A_170 = arith.subf %parallel_loop3A_165, %parallel_loop3A_147 : vector<16xf32>
          %parallel_loop3A_171 = arith.addf %parallel_loop3A_166, %parallel_loop3A_151 : vector<16xf32>
          %parallel_loop3A_172 = arith.subf %parallel_loop3A_166, %parallel_loop3A_151 : vector<16xf32>
          %parallel_loop3A_173 = vector.broadcast %parallel_loop3A_117 : i32 to vector<16xi32>
          %parallel_loop3A_174 = arith.addi %parallel_loop3A_173, %iota3A : vector<16xi32>
          %parallel_loop3A_175 = arith.constant 27 : i32
          %parallel_loop3A_176 = vector.broadcast %parallel_loop3A_175 : i32 to vector<16xi32>
          %parallel_loop3A_177 = arith.muli %parallel_loop3A_174, %parallel_loop3A_176 : vector<16xi32>
          %parallel_loop3A_178 = arith.constant 0 : i32
          %parallel_loop3A_179 = vector.broadcast %parallel_loop3A_178 : i32 to vector<16xi32>
          %parallel_loop3A_180 = arith.addi %parallel_loop3A_177, %parallel_loop3A_179 : vector<16xi32>
          tpu.vector_store_idx %arg17[%parallel_loop3A_180], %parallel_loop3A_161 : memref<10800xf32, #tpu.memory_space<vmem>>[vector<16xi32>], vector<16xf32>,
          %parallel_loop3A_181 = arith.constant 1 : i32
          %parallel_loop3A_182 = vector.broadcast %parallel_loop3A_181 : i32 to vector<16xi32>
          %parallel_loop3A_183 = arith.addi %parallel_loop3A_177, %parallel_loop3A_182 : vector<16xi32>
          tpu.vector_store_idx %arg17[%parallel_loop3A_183], %parallel_loop3A_165 : memref<10800xf32, #tpu.memory_space<vmem>>[vector<16xi32>], vector<16xf32>,
          %parallel_loop3A_184 = arith.constant 2 : i32
          %parallel_loop3A_185 = vector.broadcast %parallel_loop3A_184 : i32 to vector<16xi32>
          %parallel_loop3A_186 = arith.addi %parallel_loop3A_177, %parallel_loop3A_185 : vector<16xi32>
          tpu.vector_store_idx %arg17[%parallel_loop3A_186], %parallel_loop3A_166 : memref<10800xf32, #tpu.memory_space<vmem>>[vector<16xi32>], vector<16xf32>,
          %parallel_loop3A_187 = arith.constant 3 : i32
          %parallel_loop3A_188 = vector.broadcast %parallel_loop3A_187 : i32 to vector<16xi32>
          %parallel_loop3A_189 = arith.addi %parallel_loop3A_177, %parallel_loop3A_188 : vector<16xi32>
          tpu.vector_store_idx %arg17[%parallel_loop3A_189], %parallel_loop3A_168 : memref<10800xf32, #tpu.memory_space<vmem>>[vector<16xi32>], vector<16xf32>,
          %parallel_loop3A_190 = arith.constant 4 : i32
          %parallel_loop3A_191 = vector.broadcast %parallel_loop3A_190 : i32 to vector<16xi32>
          %parallel_loop3A_192 = arith.addi %parallel_loop3A_177, %parallel_loop3A_191 : vector<16xi32>
          tpu.vector_store_idx %arg17[%parallel_loop3A_192], %parallel_loop3A_169 : memref<10800xf32, #tpu.memory_space<vmem>>[vector<16xi32>], vector<16xf32>,
          %parallel_loop3A_193 = arith.constant 5 : i32
          %parallel_loop3A_194 = vector.broadcast %parallel_loop3A_193 : i32 to vector<16xi32>
          %parallel_loop3A_195 = arith.addi %parallel_loop3A_177, %parallel_loop3A_194 : vector<16xi32>
          tpu.vector_store_idx %arg17[%parallel_loop3A_195], %parallel_loop3A_172 : memref<10800xf32, #tpu.memory_space<vmem>>[vector<16xi32>], vector<16xf32>,
          %parallel_loop3A_196 = arith.constant 6 : i32
          %parallel_loop3A_197 = vector.broadcast %parallel_loop3A_196 : i32 to vector<16xi32>
          %parallel_loop3A_198 = arith.addi %parallel_loop3A_177, %parallel_loop3A_197 : vector<16xi32>
          tpu.vector_store_idx %arg17[%parallel_loop3A_198], %parallel_loop3A_168 : memref<10800xf32, #tpu.memory_space<vmem>>[vector<16xi32>], vector<16xf32>,
          %parallel_loop3A_199 = arith.constant 7 : i32
          %parallel_loop3A_200 = vector.broadcast %parallel_loop3A_199 : i32 to vector<16xi32>
          %parallel_loop3A_201 = arith.addi %parallel_loop3A_177, %parallel_loop3A_200 : vector<16xi32>
          tpu.vector_store_idx %arg17[%parallel_loop3A_201], %parallel_loop3A_170 : memref<10800xf32, #tpu.memory_space<vmem>>[vector<16xi32>], vector<16xf32>,
          %parallel_loop3A_202 = arith.constant 8 : i32
          %parallel_loop3A_203 = vector.broadcast %parallel_loop3A_202 : i32 to vector<16xi32>
          %parallel_loop3A_204 = arith.addi %parallel_loop3A_177, %parallel_loop3A_203 : vector<16xi32>
          tpu.vector_store_idx %arg17[%parallel_loop3A_204], %parallel_loop3A_172 : memref<10800xf32, #tpu.memory_space<vmem>>[vector<16xi32>], vector<16xf32>,
          %parallel_loop3A_205 = arith.constant 9 : i32
          %parallel_loop3A_206 = vector.broadcast %parallel_loop3A_205 : i32 to vector<16xi32>
          %parallel_loop3A_207 = arith.addi %parallel_loop3A_177, %parallel_loop3A_206 : vector<16xi32>
          tpu.vector_store_idx %arg17[%parallel_loop3A_207], %parallel_loop3A_168 : memref<10800xf32, #tpu.memory_space<vmem>>[vector<16xi32>], vector<16xf32>,
          %parallel_loop3A_208 = arith.constant 10 : i32
          %parallel_loop3A_209 = vector.broadcast %parallel_loop3A_208 : i32 to vector<16xi32>
          %parallel_loop3A_210 = arith.addi %parallel_loop3A_177, %parallel_loop3A_209 : vector<16xi32>
          tpu.vector_store_idx %arg17[%parallel_loop3A_210], %parallel_loop3A_170 : memref<10800xf32, #tpu.memory_space<vmem>>[vector<16xi32>], vector<16xf32>,
          %parallel_loop3A_211 = arith.constant 11 : i32
          %parallel_loop3A_212 = vector.broadcast %parallel_loop3A_211 : i32 to vector<16xi32>
          %parallel_loop3A_213 = arith.addi %parallel_loop3A_177, %parallel_loop3A_212 : vector<16xi32>
          tpu.vector_store_idx %arg17[%parallel_loop3A_213], %parallel_loop3A_171 : memref<10800xf32, #tpu.memory_space<vmem>>[vector<16xi32>], vector<16xf32>,
          %parallel_loop3A_214 = arith.constant 12 : i32
          %parallel_loop3A_215 = vector.broadcast %parallel_loop3A_214 : i32 to vector<16xi32>
          %parallel_loop3A_216 = arith.addi %parallel_loop3A_177, %parallel_loop3A_215 : vector<16xi32>
          tpu.vector_store_idx %arg17[%parallel_loop3A_216], %parallel_loop3A_168 : memref<10800xf32, #tpu.memory_space<vmem>>[vector<16xi32>], vector<16xf32>,
          %parallel_loop3A_217 = arith.constant 13 : i32
          %parallel_loop3A_218 = vector.broadcast %parallel_loop3A_217 : i32 to vector<16xi32>
          %parallel_loop3A_219 = arith.addi %parallel_loop3A_177, %parallel_loop3A_218 : vector<16xi32>
          tpu.vector_store_idx %arg17[%parallel_loop3A_219], %parallel_loop3A_169 : memref<10800xf32, #tpu.memory_space<vmem>>[vector<16xi32>], vector<16xf32>,
          %parallel_loop3A_220 = arith.constant 14 : i32
          %parallel_loop3A_221 = vector.broadcast %parallel_loop3A_220 : i32 to vector<16xi32>
          %parallel_loop3A_222 = arith.addi %parallel_loop3A_177, %parallel_loop3A_221 : vector<16xi32>
          tpu.vector_store_idx %arg17[%parallel_loop3A_222], %parallel_loop3A_171 : memref<10800xf32, #tpu.memory_space<vmem>>[vector<16xi32>], vector<16xf32>,
          %parallel_loop3A_223 = arith.constant 15 : i32
          %parallel_loop3A_224 = vector.broadcast %parallel_loop3A_223 : i32 to vector<16xi32>
          %parallel_loop3A_225 = arith.addi %parallel_loop3A_177, %parallel_loop3A_224 : vector<16xi32>
          tpu.vector_store_idx %arg17[%parallel_loop3A_225], %parallel_loop3A_167 : memref<10800xf32, #tpu.memory_space<vmem>>[vector<16xi32>], vector<16xf32>,
          %parallel_loop3A_226 = arith.constant 16 : i32
          %parallel_loop3A_227 = vector.broadcast %parallel_loop3A_226 : i32 to vector<16xi32>
          %parallel_loop3A_228 = arith.addi %parallel_loop3A_177, %parallel_loop3A_227 : vector<16xi32>
          tpu.vector_store_idx %arg17[%parallel_loop3A_228], %parallel_loop3A_169 : memref<10800xf32, #tpu.memory_space<vmem>>[vector<16xi32>], vector<16xf32>,
          %parallel_loop3A_229 = arith.constant 17 : i32
          %parallel_loop3A_230 = vector.broadcast %parallel_loop3A_229 : i32 to vector<16xi32>
          %parallel_loop3A_231 = arith.addi %parallel_loop3A_177, %parallel_loop3A_230 : vector<16xi32>
          tpu.vector_store_idx %arg17[%parallel_loop3A_231], %parallel_loop3A_172 : memref<10800xf32, #tpu.memory_space<vmem>>[vector<16xi32>], vector<16xf32>,
          %parallel_loop3A_232 = arith.constant 18 : i32
          %parallel_loop3A_233 = vector.broadcast %parallel_loop3A_232 : i32 to vector<16xi32>
          %parallel_loop3A_234 = arith.addi %parallel_loop3A_177, %parallel_loop3A_233 : vector<16xi32>
          tpu.vector_store_idx %arg17[%parallel_loop3A_234], %parallel_loop3A_167 : memref<10800xf32, #tpu.memory_space<vmem>>[vector<16xi32>], vector<16xf32>,
          %parallel_loop3A_235 = arith.constant 19 : i32
          %parallel_loop3A_236 = vector.broadcast %parallel_loop3A_235 : i32 to vector<16xi32>
          %parallel_loop3A_237 = arith.addi %parallel_loop3A_177, %parallel_loop3A_236 : vector<16xi32>
          tpu.vector_store_idx %arg17[%parallel_loop3A_237], %parallel_loop3A_170 : memref<10800xf32, #tpu.memory_space<vmem>>[vector<16xi32>], vector<16xf32>,
          %parallel_loop3A_238 = arith.constant 20 : i32
          %parallel_loop3A_239 = vector.broadcast %parallel_loop3A_238 : i32 to vector<16xi32>
          %parallel_loop3A_240 = arith.addi %parallel_loop3A_177, %parallel_loop3A_239 : vector<16xi32>
          tpu.vector_store_idx %arg17[%parallel_loop3A_240], %parallel_loop3A_172 : memref<10800xf32, #tpu.memory_space<vmem>>[vector<16xi32>], vector<16xf32>,
          %parallel_loop3A_241 = arith.constant 21 : i32
          %parallel_loop3A_242 = vector.broadcast %parallel_loop3A_241 : i32 to vector<16xi32>
          %parallel_loop3A_243 = arith.addi %parallel_loop3A_177, %parallel_loop3A_242 : vector<16xi32>
          tpu.vector_store_idx %arg17[%parallel_loop3A_243], %parallel_loop3A_167 : memref<10800xf32, #tpu.memory_space<vmem>>[vector<16xi32>], vector<16xf32>,
          %parallel_loop3A_244 = arith.constant 22 : i32
          %parallel_loop3A_245 = vector.broadcast %parallel_loop3A_244 : i32 to vector<16xi32>
          %parallel_loop3A_246 = arith.addi %parallel_loop3A_177, %parallel_loop3A_245 : vector<16xi32>
          tpu.vector_store_idx %arg17[%parallel_loop3A_246], %parallel_loop3A_170 : memref<10800xf32, #tpu.memory_space<vmem>>[vector<16xi32>], vector<16xf32>,
          %parallel_loop3A_247 = arith.constant 23 : i32
          %parallel_loop3A_248 = vector.broadcast %parallel_loop3A_247 : i32 to vector<16xi32>
          %parallel_loop3A_249 = arith.addi %parallel_loop3A_177, %parallel_loop3A_248 : vector<16xi32>
          tpu.vector_store_idx %arg17[%parallel_loop3A_249], %parallel_loop3A_171 : memref<10800xf32, #tpu.memory_space<vmem>>[vector<16xi32>], vector<16xf32>,
          %parallel_loop3A_250 = arith.constant 24 : i32
          %parallel_loop3A_251 = vector.broadcast %parallel_loop3A_250 : i32 to vector<16xi32>
          %parallel_loop3A_252 = arith.addi %parallel_loop3A_177, %parallel_loop3A_251 : vector<16xi32>
          tpu.vector_store_idx %arg17[%parallel_loop3A_252], %parallel_loop3A_167 : memref<10800xf32, #tpu.memory_space<vmem>>[vector<16xi32>], vector<16xf32>,
          %parallel_loop3A_253 = arith.constant 25 : i32
          %parallel_loop3A_254 = vector.broadcast %parallel_loop3A_253 : i32 to vector<16xi32>
          %parallel_loop3A_255 = arith.addi %parallel_loop3A_177, %parallel_loop3A_254 : vector<16xi32>
          tpu.vector_store_idx %arg17[%parallel_loop3A_255], %parallel_loop3A_169 : memref<10800xf32, #tpu.memory_space<vmem>>[vector<16xi32>], vector<16xf32>,
          %parallel_loop3A_256 = arith.constant 26 : i32
          %parallel_loop3A_257 = vector.broadcast %parallel_loop3A_256 : i32 to vector<16xi32>
          %parallel_loop3A_258 = arith.addi %parallel_loop3A_177, %parallel_loop3A_257 : vector<16xi32>
          tpu.vector_store_idx %arg17[%parallel_loop3A_258], %parallel_loop3A_171 : memref<10800xf32, #tpu.memory_space<vmem>>[vector<16xi32>], vector<16xf32>,
        } {sc.loop_unroll_factor = 2 : i64, sc.parallel_access}
        %mul3A_100 = arith.constant 32 : i32
        %mul3A_101 = arith.muli %add3A_70, %mul3A_100 : i32
        %add3A_102 = arith.addi %add3A, %mul3A_101 : i32
        %mul3A_103 = arith.constant 400 : i32
        %mul3A_104 = arith.muli %add3A_102, %mul3A_103 : i32
        %mul3A_105 = arith.constant 27 : i32
        %mul3A_106 = arith.muli %mul3A_104, %mul3A_105 : i32
        %dma_start3A_107 = tpu.memref_slice %arg7[%mul3A_106] : memref<13500000xf32, #tpu.memory_space<hbm>> -> memref<10800xf32, #tpu.memory_space<hbm>>
        %dma_start3A_108 = tpu.memref_slice %arg7[%mul3A_106] : memref<13500000xf32, #tpu.memory_space<hbm>> -> memref<10800xf32, #tpu.memory_space<hbm>>
        tpu.enqueue_dma source(%arg17 : memref<10800xf32, #tpu.memory_space<vmem>>) target(%dma_start3A_108 : memref<10800xf32, #tpu.memory_space<hbm>>) target_semaphore(%arg21 : memref<!tpu.dma_semaphore, #tpu.memory_space<semaphore_mem>>)
        %add3A_109 = arith.constant 2 : i32
        %add3A_110 = arith.addi %add3A_70, %add3A_109 : i32
        %lt3A_111 = arith.cmpi slt, %add3A_110, %add3A_20 : i32
        %convert_element_type3A_112 = arith.extui %lt3A_111 : i1 to i32
        %cond3A_113 = arith.constant 0 : i32
        %cond3A_114 = arith.cmpi ne, %convert_element_type3A_112, %cond3A_113 : i32
        scf.if %cond3A_114 {
          %add3A_115 = arith.constant 2 : i32
          %add3A_116 = arith.addi %add3A_70, %add3A_115 : i32
          %mul3A_117 = arith.constant 32 : i32
          %mul3A_118 = arith.muli %add3A_116, %mul3A_117 : i32
          %add3A_119 = arith.addi %add3A, %mul3A_118 : i32
          %mul3A_120 = arith.constant 400 : i32
          %mul3A_121 = arith.muli %add3A_119, %mul3A_120 : i32
          %dma_start3A_122 = tpu.memref_slice %arg6[%mul3A_121] : memref<500000xi32, #tpu.memory_space<hbm>> -> memref<400xi32, #tpu.memory_space<hbm>>
          %dma_start3A_123 = tpu.memref_slice %arg6[%mul3A_121] : memref<500000xi32, #tpu.memory_space<hbm>> -> memref<400xi32, #tpu.memory_space<hbm>>
          tpu.enqueue_dma source(%dma_start3A_123 : memref<400xi32, #tpu.memory_space<hbm>>) target(%arg9 : memref<400xi32, #tpu.memory_space<vmem>>) target_semaphore(%arg19 : memref<!tpu.dma_semaphore, #tpu.memory_space<semaphore_mem>>)
          %dma_start3A_124 = tpu.memref_slice %arg3[%mul3A_121] : memref<500000xf32, #tpu.memory_space<hbm>> -> memref<400xf32, #tpu.memory_space<hbm>>
          %dma_start3A_125 = tpu.memref_slice %arg3[%mul3A_121] : memref<500000xf32, #tpu.memory_space<hbm>> -> memref<400xf32, #tpu.memory_space<hbm>>
          tpu.enqueue_dma source(%dma_start3A_125 : memref<400xf32, #tpu.memory_space<hbm>>) target(%arg11 : memref<400xf32, #tpu.memory_space<vmem>>) target_semaphore(%arg19 : memref<!tpu.dma_semaphore, #tpu.memory_space<semaphore_mem>>)
          %dma_start3A_126 = tpu.memref_slice %arg4[%mul3A_121] : memref<500000xf32, #tpu.memory_space<hbm>> -> memref<400xf32, #tpu.memory_space<hbm>>
          %dma_start3A_127 = tpu.memref_slice %arg4[%mul3A_121] : memref<500000xf32, #tpu.memory_space<hbm>> -> memref<400xf32, #tpu.memory_space<hbm>>
          tpu.enqueue_dma source(%dma_start3A_127 : memref<400xf32, #tpu.memory_space<hbm>>) target(%arg13 : memref<400xf32, #tpu.memory_space<vmem>>) target_semaphore(%arg19 : memref<!tpu.dma_semaphore, #tpu.memory_space<semaphore_mem>>)
          %dma_start3A_128 = tpu.memref_slice %arg5[%mul3A_121] : memref<500000xf32, #tpu.memory_space<hbm>> -> memref<400xf32, #tpu.memory_space<hbm>>
          %dma_start3A_129 = tpu.memref_slice %arg5[%mul3A_121] : memref<500000xf32, #tpu.memory_space<hbm>> -> memref<400xf32, #tpu.memory_space<hbm>>
          tpu.enqueue_dma source(%dma_start3A_129 : memref<400xf32, #tpu.memory_space<hbm>>) target(%arg15 : memref<400xf32, #tpu.memory_space<vmem>>) target_semaphore(%arg19 : memref<!tpu.dma_semaphore, #tpu.memory_space<semaphore_mem>>)
        } else {
        }
      } else {
      }
      %mul3A_72 = arith.constant 2 : i32
      %mul3A_73 = arith.muli %scan3A_65, %mul3A_72 : i32
      %add3A_74 = arith.constant 1 : i32
      %add3A_75 = arith.addi %mul3A_73, %add3A_74 : i32
      %lt3A_76 = arith.cmpi slt, %add3A_75, %add3A_20 : i32
      %convert_element_type3A_77 = arith.extui %lt3A_76 : i1 to i32
      %cond3A_78 = arith.constant 0 : i32
      %cond3A_79 = arith.cmpi ne, %convert_element_type3A_77, %cond3A_78 : i32
      scf.if %cond3A_79 {
        %mul3A_81 = arith.constant 32 : i32
        %mul3A_82 = arith.muli %add3A_75, %mul3A_81 : i32
        %add3A_83 = arith.addi %add3A, %mul3A_82 : i32
        %mul3A_84 = arith.constant 400 : i32
        %mul3A_85 = arith.muli %add3A_83, %mul3A_84 : i32
        %dma_wait3A_86 = tpu.memref_slice %arg6[%mul3A_85] : memref<500000xi32, #tpu.memory_space<hbm>> -> memref<400xi32, #tpu.memory_space<hbm>>
        %dma_wait3A_87 = tpu.memref_slice %arg6[%mul3A_85] : memref<500000xi32, #tpu.memory_space<hbm>> -> memref<400xi32, #tpu.memory_space<hbm>>
        tpu.wait_dma2 semaphore(%arg20 : memref<!tpu.dma_semaphore, #tpu.memory_space<semaphore_mem>>) src(%dma_wait3A_87 : memref<400xi32, #tpu.memory_space<hbm>>) dst(%arg10 : memref<400xi32, #tpu.memory_space<vmem>>)
        %dma_wait3A_88 = tpu.memref_slice %arg3[%mul3A_85] : memref<500000xf32, #tpu.memory_space<hbm>> -> memref<400xf32, #tpu.memory_space<hbm>>
        %dma_wait3A_89 = tpu.memref_slice %arg3[%mul3A_85] : memref<500000xf32, #tpu.memory_space<hbm>> -> memref<400xf32, #tpu.memory_space<hbm>>
        tpu.wait_dma2 semaphore(%arg20 : memref<!tpu.dma_semaphore, #tpu.memory_space<semaphore_mem>>) src(%dma_wait3A_89 : memref<400xf32, #tpu.memory_space<hbm>>) dst(%arg12 : memref<400xf32, #tpu.memory_space<vmem>>)
        %dma_wait3A_90 = tpu.memref_slice %arg4[%mul3A_85] : memref<500000xf32, #tpu.memory_space<hbm>> -> memref<400xf32, #tpu.memory_space<hbm>>
        %dma_wait3A_91 = tpu.memref_slice %arg4[%mul3A_85] : memref<500000xf32, #tpu.memory_space<hbm>> -> memref<400xf32, #tpu.memory_space<hbm>>
        tpu.wait_dma2 semaphore(%arg20 : memref<!tpu.dma_semaphore, #tpu.memory_space<semaphore_mem>>) src(%dma_wait3A_91 : memref<400xf32, #tpu.memory_space<hbm>>) dst(%arg14 : memref<400xf32, #tpu.memory_space<vmem>>)
        %dma_wait3A_92 = tpu.memref_slice %arg5[%mul3A_85] : memref<500000xf32, #tpu.memory_space<hbm>> -> memref<400xf32, #tpu.memory_space<hbm>>
        %dma_wait3A_93 = tpu.memref_slice %arg5[%mul3A_85] : memref<500000xf32, #tpu.memory_space<hbm>> -> memref<400xf32, #tpu.memory_space<hbm>>
        tpu.wait_dma2 semaphore(%arg20 : memref<!tpu.dma_semaphore, #tpu.memory_space<semaphore_mem>>) src(%dma_wait3A_93 : memref<400xf32, #tpu.memory_space<hbm>>) dst(%arg16 : memref<400xf32, #tpu.memory_space<vmem>>)
        %ge3A = arith.constant 2 : i32
        %ge3A_94 = arith.cmpi sge, %add3A_75, %ge3A : i32
        %convert_element_type3A_95 = arith.extui %ge3A_94 : i1 to i32
        %cond3A_96 = arith.constant 0 : i32
        %cond3A_97 = arith.cmpi ne, %convert_element_type3A_95, %cond3A_96 : i32
        scf.if %cond3A_97 {
          %sub3A_115 = arith.constant 2 : i32
          %sub3A_116 = arith.subi %add3A_75, %sub3A_115 : i32
          %mul3A_117 = arith.constant 32 : i32
          %mul3A_118 = arith.muli %sub3A_116, %mul3A_117 : i32
          %add3A_119 = arith.addi %add3A, %mul3A_118 : i32
          %mul3A_120 = arith.constant 400 : i32
          %mul3A_121 = arith.muli %add3A_119, %mul3A_120 : i32
          %mul3A_122 = arith.constant 27 : i32
          %mul3A_123 = arith.muli %mul3A_121, %mul3A_122 : i32
          %dma_wait3A_124 = tpu.memref_slice %arg7[%mul3A_123] : memref<13500000xf32, #tpu.memory_space<hbm>> -> memref<10800xf32, #tpu.memory_space<hbm>>
          %dma_wait3A_125 = tpu.memref_slice %arg7[%mul3A_123] : memref<13500000xf32, #tpu.memory_space<hbm>> -> memref<10800xf32, #tpu.memory_space<hbm>>
          tpu.wait_dma2 semaphore(%arg22 : memref<!tpu.dma_semaphore, #tpu.memory_space<semaphore_mem>>) src(%arg18 : memref<10800xf32, #tpu.memory_space<vmem>>) dst(%dma_wait3A_125 : memref<10800xf32, #tpu.memory_space<hbm>>)
        } else {
        }
        %iota3A = tpu.iota {dimensions = array<i32: 0>} : vector<16xi32>
        %parallel_loop3A = arith.constant 0 : i32
        %parallel_loop3A_98 = arith.constant 25 : i32
        %parallel_loop3A_99 = arith.constant 1 : i32
        scf.for %parallel_loop3A_115 = %parallel_loop3A to %parallel_loop3A_98 step %parallel_loop3A_99  : i32 {
          %parallel_loop3A_116 = arith.constant 16 : i32
          %parallel_loop3A_117 = arith.muli %parallel_loop3A_115, %parallel_loop3A_116 : i32
          %parallel_loop3A_118 = arith.index_cast %parallel_loop3A_117 : i32 to index
          %parallel_loop3A_119 = tpu.vector_load %arg10[%parallel_loop3A_118] {strides = array<i32>} : memref<400xi32, #tpu.memory_space<vmem>>, vector<16xi32>,
          %parallel_loop3A_120 = arith.constant 0 : i32
          %parallel_loop3A_121 = vector.broadcast %parallel_loop3A_120 : i32 to vector<16xi32>
          %parallel_loop3A_122 = arith.addi %parallel_loop3A_119, %parallel_loop3A_121 : vector<16xi32>
          %parallel_loop3A_123 = tpu.vector_load_idx %arg8[%parallel_loop3A_122] : memref<80000xf32, #tpu.memory_space<vmem>>[vector<16xi32>], vector<16xf32>,
          %parallel_loop3A_124 = arith.constant 10000 : i32
          %parallel_loop3A_125 = vector.broadcast %parallel_loop3A_124 : i32 to vector<16xi32>
          %parallel_loop3A_126 = arith.addi %parallel_loop3A_119, %parallel_loop3A_125 : vector<16xi32>
          %parallel_loop3A_127 = tpu.vector_load_idx %arg8[%parallel_loop3A_126] : memref<80000xf32, #tpu.memory_space<vmem>>[vector<16xi32>], vector<16xf32>,
          %parallel_loop3A_128 = arith.constant 20000 : i32
          %parallel_loop3A_129 = vector.broadcast %parallel_loop3A_128 : i32 to vector<16xi32>
          %parallel_loop3A_130 = arith.addi %parallel_loop3A_119, %parallel_loop3A_129 : vector<16xi32>
          %parallel_loop3A_131 = tpu.vector_load_idx %arg8[%parallel_loop3A_130] : memref<80000xf32, #tpu.memory_space<vmem>>[vector<16xi32>], vector<16xf32>,
          %parallel_loop3A_132 = arith.constant 30000 : i32
          %parallel_loop3A_133 = vector.broadcast %parallel_loop3A_132 : i32 to vector<16xi32>
          %parallel_loop3A_134 = arith.addi %parallel_loop3A_119, %parallel_loop3A_133 : vector<16xi32>
          %parallel_loop3A_135 = tpu.vector_load_idx %arg8[%parallel_loop3A_134] : memref<80000xf32, #tpu.memory_space<vmem>>[vector<16xi32>], vector<16xf32>,
          %parallel_loop3A_136 = arith.constant 40000 : i32
          %parallel_loop3A_137 = vector.broadcast %parallel_loop3A_136 : i32 to vector<16xi32>
          %parallel_loop3A_138 = arith.addi %parallel_loop3A_119, %parallel_loop3A_137 : vector<16xi32>
          %parallel_loop3A_139 = tpu.vector_load_idx %arg8[%parallel_loop3A_138] : memref<80000xf32, #tpu.memory_space<vmem>>[vector<16xi32>], vector<16xf32>,
          %parallel_loop3A_140 = arith.constant 50000 : i32
          %parallel_loop3A_141 = vector.broadcast %parallel_loop3A_140 : i32 to vector<16xi32>
          %parallel_loop3A_142 = arith.addi %parallel_loop3A_119, %parallel_loop3A_141 : vector<16xi32>
          %parallel_loop3A_143 = tpu.vector_load_idx %arg8[%parallel_loop3A_142] : memref<80000xf32, #tpu.memory_space<vmem>>[vector<16xi32>], vector<16xf32>,
          %parallel_loop3A_144 = arith.constant 60000 : i32
          %parallel_loop3A_145 = vector.broadcast %parallel_loop3A_144 : i32 to vector<16xi32>
          %parallel_loop3A_146 = arith.addi %parallel_loop3A_119, %parallel_loop3A_145 : vector<16xi32>
          %parallel_loop3A_147 = tpu.vector_load_idx %arg8[%parallel_loop3A_146] : memref<80000xf32, #tpu.memory_space<vmem>>[vector<16xi32>], vector<16xf32>,
          %parallel_loop3A_148 = arith.constant 70000 : i32
          %parallel_loop3A_149 = vector.broadcast %parallel_loop3A_148 : i32 to vector<16xi32>
          %parallel_loop3A_150 = arith.addi %parallel_loop3A_119, %parallel_loop3A_149 : vector<16xi32>
          %parallel_loop3A_151 = tpu.vector_load_idx %arg8[%parallel_loop3A_150] : memref<80000xf32, #tpu.memory_space<vmem>>[vector<16xi32>], vector<16xf32>,
          %parallel_loop3A_152 = arith.index_cast %parallel_loop3A_117 : i32 to index
          %parallel_loop3A_153 = tpu.vector_load %arg12[%parallel_loop3A_152] {strides = array<i32>} : memref<400xf32, #tpu.memory_space<vmem>>, vector<16xf32>,
          %parallel_loop3A_154 = arith.index_cast %parallel_loop3A_117 : i32 to index
          %parallel_loop3A_155 = tpu.vector_load %arg14[%parallel_loop3A_154] {strides = array<i32>} : memref<400xf32, #tpu.memory_space<vmem>>, vector<16xf32>,
          %parallel_loop3A_156 = arith.index_cast %parallel_loop3A_117 : i32 to index
          %parallel_loop3A_157 = tpu.vector_load %arg16[%parallel_loop3A_156] {strides = array<i32>} : memref<400xf32, #tpu.memory_space<vmem>>, vector<16xf32>,
          %parallel_loop3A_158 = arith.mulf %parallel_loop3A_123, %parallel_loop3A_153 : vector<16xf32>
          %parallel_loop3A_159 = arith.mulf %parallel_loop3A_127, %parallel_loop3A_155 : vector<16xf32>
          %parallel_loop3A_160 = arith.subf %parallel_loop3A_158, %parallel_loop3A_159 : vector<16xf32>
          %parallel_loop3A_161 = arith.addf %parallel_loop3A_160, %parallel_loop3A_131 : vector<16xf32>
          %parallel_loop3A_162 = arith.mulf %parallel_loop3A_127, %parallel_loop3A_153 : vector<16xf32>
          %parallel_loop3A_163 = arith.mulf %parallel_loop3A_123, %parallel_loop3A_155 : vector<16xf32>
          %parallel_loop3A_164 = arith.addf %parallel_loop3A_162, %parallel_loop3A_163 : vector<16xf32>
          %parallel_loop3A_165 = arith.addf %parallel_loop3A_164, %parallel_loop3A_135 : vector<16xf32>
          %parallel_loop3A_166 = arith.addf %parallel_loop3A_157, %parallel_loop3A_139 : vector<16xf32>
          %parallel_loop3A_167 = arith.addf %parallel_loop3A_161, %parallel_loop3A_143 : vector<16xf32>
          %parallel_loop3A_168 = arith.subf %parallel_loop3A_161, %parallel_loop3A_143 : vector<16xf32>
          %parallel_loop3A_169 = arith.addf %parallel_loop3A_165, %parallel_loop3A_147 : vector<16xf32>
          %parallel_loop3A_170 = arith.subf %parallel_loop3A_165, %parallel_loop3A_147 : vector<16xf32>
          %parallel_loop3A_171 = arith.addf %parallel_loop3A_166, %parallel_loop3A_151 : vector<16xf32>
          %parallel_loop3A_172 = arith.subf %parallel_loop3A_166, %parallel_loop3A_151 : vector<16xf32>
          %parallel_loop3A_173 = vector.broadcast %parallel_loop3A_117 : i32 to vector<16xi32>
          %parallel_loop3A_174 = arith.addi %parallel_loop3A_173, %iota3A : vector<16xi32>
          %parallel_loop3A_175 = arith.constant 27 : i32
          %parallel_loop3A_176 = vector.broadcast %parallel_loop3A_175 : i32 to vector<16xi32>
          %parallel_loop3A_177 = arith.muli %parallel_loop3A_174, %parallel_loop3A_176 : vector<16xi32>
          %parallel_loop3A_178 = arith.constant 0 : i32
          %parallel_loop3A_179 = vector.broadcast %parallel_loop3A_178 : i32 to vector<16xi32>
          %parallel_loop3A_180 = arith.addi %parallel_loop3A_177, %parallel_loop3A_179 : vector<16xi32>
          tpu.vector_store_idx %arg18[%parallel_loop3A_180], %parallel_loop3A_161 : memref<10800xf32, #tpu.memory_space<vmem>>[vector<16xi32>], vector<16xf32>,
          %parallel_loop3A_181 = arith.constant 1 : i32
          %parallel_loop3A_182 = vector.broadcast %parallel_loop3A_181 : i32 to vector<16xi32>
          %parallel_loop3A_183 = arith.addi %parallel_loop3A_177, %parallel_loop3A_182 : vector<16xi32>
          tpu.vector_store_idx %arg18[%parallel_loop3A_183], %parallel_loop3A_165 : memref<10800xf32, #tpu.memory_space<vmem>>[vector<16xi32>], vector<16xf32>,
          %parallel_loop3A_184 = arith.constant 2 : i32
          %parallel_loop3A_185 = vector.broadcast %parallel_loop3A_184 : i32 to vector<16xi32>
          %parallel_loop3A_186 = arith.addi %parallel_loop3A_177, %parallel_loop3A_185 : vector<16xi32>
          tpu.vector_store_idx %arg18[%parallel_loop3A_186], %parallel_loop3A_166 : memref<10800xf32, #tpu.memory_space<vmem>>[vector<16xi32>], vector<16xf32>,
          %parallel_loop3A_187 = arith.constant 3 : i32
          %parallel_loop3A_188 = vector.broadcast %parallel_loop3A_187 : i32 to vector<16xi32>
          %parallel_loop3A_189 = arith.addi %parallel_loop3A_177, %parallel_loop3A_188 : vector<16xi32>
          tpu.vector_store_idx %arg18[%parallel_loop3A_189], %parallel_loop3A_168 : memref<10800xf32, #tpu.memory_space<vmem>>[vector<16xi32>], vector<16xf32>,
          %parallel_loop3A_190 = arith.constant 4 : i32
          %parallel_loop3A_191 = vector.broadcast %parallel_loop3A_190 : i32 to vector<16xi32>
          %parallel_loop3A_192 = arith.addi %parallel_loop3A_177, %parallel_loop3A_191 : vector<16xi32>
          tpu.vector_store_idx %arg18[%parallel_loop3A_192], %parallel_loop3A_169 : memref<10800xf32, #tpu.memory_space<vmem>>[vector<16xi32>], vector<16xf32>,
          %parallel_loop3A_193 = arith.constant 5 : i32
          %parallel_loop3A_194 = vector.broadcast %parallel_loop3A_193 : i32 to vector<16xi32>
          %parallel_loop3A_195 = arith.addi %parallel_loop3A_177, %parallel_loop3A_194 : vector<16xi32>
          tpu.vector_store_idx %arg18[%parallel_loop3A_195], %parallel_loop3A_172 : memref<10800xf32, #tpu.memory_space<vmem>>[vector<16xi32>], vector<16xf32>,
          %parallel_loop3A_196 = arith.constant 6 : i32
          %parallel_loop3A_197 = vector.broadcast %parallel_loop3A_196 : i32 to vector<16xi32>
          %parallel_loop3A_198 = arith.addi %parallel_loop3A_177, %parallel_loop3A_197 : vector<16xi32>
          tpu.vector_store_idx %arg18[%parallel_loop3A_198], %parallel_loop3A_168 : memref<10800xf32, #tpu.memory_space<vmem>>[vector<16xi32>], vector<16xf32>,
          %parallel_loop3A_199 = arith.constant 7 : i32
          %parallel_loop3A_200 = vector.broadcast %parallel_loop3A_199 : i32 to vector<16xi32>
          %parallel_loop3A_201 = arith.addi %parallel_loop3A_177, %parallel_loop3A_200 : vector<16xi32>
          tpu.vector_store_idx %arg18[%parallel_loop3A_201], %parallel_loop3A_170 : memref<10800xf32, #tpu.memory_space<vmem>>[vector<16xi32>], vector<16xf32>,
          %parallel_loop3A_202 = arith.constant 8 : i32
          %parallel_loop3A_203 = vector.broadcast %parallel_loop3A_202 : i32 to vector<16xi32>
          %parallel_loop3A_204 = arith.addi %parallel_loop3A_177, %parallel_loop3A_203 : vector<16xi32>
          tpu.vector_store_idx %arg18[%parallel_loop3A_204], %parallel_loop3A_172 : memref<10800xf32, #tpu.memory_space<vmem>>[vector<16xi32>], vector<16xf32>,
          %parallel_loop3A_205 = arith.constant 9 : i32
          %parallel_loop3A_206 = vector.broadcast %parallel_loop3A_205 : i32 to vector<16xi32>
          %parallel_loop3A_207 = arith.addi %parallel_loop3A_177, %parallel_loop3A_206 : vector<16xi32>
          tpu.vector_store_idx %arg18[%parallel_loop3A_207], %parallel_loop3A_168 : memref<10800xf32, #tpu.memory_space<vmem>>[vector<16xi32>], vector<16xf32>,
          %parallel_loop3A_208 = arith.constant 10 : i32
          %parallel_loop3A_209 = vector.broadcast %parallel_loop3A_208 : i32 to vector<16xi32>
          %parallel_loop3A_210 = arith.addi %parallel_loop3A_177, %parallel_loop3A_209 : vector<16xi32>
          tpu.vector_store_idx %arg18[%parallel_loop3A_210], %parallel_loop3A_170 : memref<10800xf32, #tpu.memory_space<vmem>>[vector<16xi32>], vector<16xf32>,
          %parallel_loop3A_211 = arith.constant 11 : i32
          %parallel_loop3A_212 = vector.broadcast %parallel_loop3A_211 : i32 to vector<16xi32>
          %parallel_loop3A_213 = arith.addi %parallel_loop3A_177, %parallel_loop3A_212 : vector<16xi32>
          tpu.vector_store_idx %arg18[%parallel_loop3A_213], %parallel_loop3A_171 : memref<10800xf32, #tpu.memory_space<vmem>>[vector<16xi32>], vector<16xf32>,
          %parallel_loop3A_214 = arith.constant 12 : i32
          %parallel_loop3A_215 = vector.broadcast %parallel_loop3A_214 : i32 to vector<16xi32>
          %parallel_loop3A_216 = arith.addi %parallel_loop3A_177, %parallel_loop3A_215 : vector<16xi32>
          tpu.vector_store_idx %arg18[%parallel_loop3A_216], %parallel_loop3A_168 : memref<10800xf32, #tpu.memory_space<vmem>>[vector<16xi32>], vector<16xf32>,
          %parallel_loop3A_217 = arith.constant 13 : i32
          %parallel_loop3A_218 = vector.broadcast %parallel_loop3A_217 : i32 to vector<16xi32>
          %parallel_loop3A_219 = arith.addi %parallel_loop3A_177, %parallel_loop3A_218 : vector<16xi32>
          tpu.vector_store_idx %arg18[%parallel_loop3A_219], %parallel_loop3A_169 : memref<10800xf32, #tpu.memory_space<vmem>>[vector<16xi32>], vector<16xf32>,
          %parallel_loop3A_220 = arith.constant 14 : i32
          %parallel_loop3A_221 = vector.broadcast %parallel_loop3A_220 : i32 to vector<16xi32>
          %parallel_loop3A_222 = arith.addi %parallel_loop3A_177, %parallel_loop3A_221 : vector<16xi32>
          tpu.vector_store_idx %arg18[%parallel_loop3A_222], %parallel_loop3A_171 : memref<10800xf32, #tpu.memory_space<vmem>>[vector<16xi32>], vector<16xf32>,
          %parallel_loop3A_223 = arith.constant 15 : i32
          %parallel_loop3A_224 = vector.broadcast %parallel_loop3A_223 : i32 to vector<16xi32>
          %parallel_loop3A_225 = arith.addi %parallel_loop3A_177, %parallel_loop3A_224 : vector<16xi32>
          tpu.vector_store_idx %arg18[%parallel_loop3A_225], %parallel_loop3A_167 : memref<10800xf32, #tpu.memory_space<vmem>>[vector<16xi32>], vector<16xf32>,
          %parallel_loop3A_226 = arith.constant 16 : i32
          %parallel_loop3A_227 = vector.broadcast %parallel_loop3A_226 : i32 to vector<16xi32>
          %parallel_loop3A_228 = arith.addi %parallel_loop3A_177, %parallel_loop3A_227 : vector<16xi32>
          tpu.vector_store_idx %arg18[%parallel_loop3A_228], %parallel_loop3A_169 : memref<10800xf32, #tpu.memory_space<vmem>>[vector<16xi32>], vector<16xf32>,
          %parallel_loop3A_229 = arith.constant 17 : i32
          %parallel_loop3A_230 = vector.broadcast %parallel_loop3A_229 : i32 to vector<16xi32>
          %parallel_loop3A_231 = arith.addi %parallel_loop3A_177, %parallel_loop3A_230 : vector<16xi32>
          tpu.vector_store_idx %arg18[%parallel_loop3A_231], %parallel_loop3A_172 : memref<10800xf32, #tpu.memory_space<vmem>>[vector<16xi32>], vector<16xf32>,
          %parallel_loop3A_232 = arith.constant 18 : i32
          %parallel_loop3A_233 = vector.broadcast %parallel_loop3A_232 : i32 to vector<16xi32>
          %parallel_loop3A_234 = arith.addi %parallel_loop3A_177, %parallel_loop3A_233 : vector<16xi32>
          tpu.vector_store_idx %arg18[%parallel_loop3A_234], %parallel_loop3A_167 : memref<10800xf32, #tpu.memory_space<vmem>>[vector<16xi32>], vector<16xf32>,
          %parallel_loop3A_235 = arith.constant 19 : i32
          %parallel_loop3A_236 = vector.broadcast %parallel_loop3A_235 : i32 to vector<16xi32>
          %parallel_loop3A_237 = arith.addi %parallel_loop3A_177, %parallel_loop3A_236 : vector<16xi32>
          tpu.vector_store_idx %arg18[%parallel_loop3A_237], %parallel_loop3A_170 : memref<10800xf32, #tpu.memory_space<vmem>>[vector<16xi32>], vector<16xf32>,
          %parallel_loop3A_238 = arith.constant 20 : i32
          %parallel_loop3A_239 = vector.broadcast %parallel_loop3A_238 : i32 to vector<16xi32>
          %parallel_loop3A_240 = arith.addi %parallel_loop3A_177, %parallel_loop3A_239 : vector<16xi32>
          tpu.vector_store_idx %arg18[%parallel_loop3A_240], %parallel_loop3A_172 : memref<10800xf32, #tpu.memory_space<vmem>>[vector<16xi32>], vector<16xf32>,
          %parallel_loop3A_241 = arith.constant 21 : i32
          %parallel_loop3A_242 = vector.broadcast %parallel_loop3A_241 : i32 to vector<16xi32>
          %parallel_loop3A_243 = arith.addi %parallel_loop3A_177, %parallel_loop3A_242 : vector<16xi32>
          tpu.vector_store_idx %arg18[%parallel_loop3A_243], %parallel_loop3A_167 : memref<10800xf32, #tpu.memory_space<vmem>>[vector<16xi32>], vector<16xf32>,
          %parallel_loop3A_244 = arith.constant 22 : i32
          %parallel_loop3A_245 = vector.broadcast %parallel_loop3A_244 : i32 to vector<16xi32>
          %parallel_loop3A_246 = arith.addi %parallel_loop3A_177, %parallel_loop3A_245 : vector<16xi32>
          tpu.vector_store_idx %arg18[%parallel_loop3A_246], %parallel_loop3A_170 : memref<10800xf32, #tpu.memory_space<vmem>>[vector<16xi32>], vector<16xf32>,
          %parallel_loop3A_247 = arith.constant 23 : i32
          %parallel_loop3A_248 = vector.broadcast %parallel_loop3A_247 : i32 to vector<16xi32>
          %parallel_loop3A_249 = arith.addi %parallel_loop3A_177, %parallel_loop3A_248 : vector<16xi32>
          tpu.vector_store_idx %arg18[%parallel_loop3A_249], %parallel_loop3A_171 : memref<10800xf32, #tpu.memory_space<vmem>>[vector<16xi32>], vector<16xf32>,
          %parallel_loop3A_250 = arith.constant 24 : i32
          %parallel_loop3A_251 = vector.broadcast %parallel_loop3A_250 : i32 to vector<16xi32>
          %parallel_loop3A_252 = arith.addi %parallel_loop3A_177, %parallel_loop3A_251 : vector<16xi32>
          tpu.vector_store_idx %arg18[%parallel_loop3A_252], %parallel_loop3A_167 : memref<10800xf32, #tpu.memory_space<vmem>>[vector<16xi32>], vector<16xf32>,
          %parallel_loop3A_253 = arith.constant 25 : i32
          %parallel_loop3A_254 = vector.broadcast %parallel_loop3A_253 : i32 to vector<16xi32>
          %parallel_loop3A_255 = arith.addi %parallel_loop3A_177, %parallel_loop3A_254 : vector<16xi32>
          tpu.vector_store_idx %arg18[%parallel_loop3A_255], %parallel_loop3A_169 : memref<10800xf32, #tpu.memory_space<vmem>>[vector<16xi32>], vector<16xf32>,
          %parallel_loop3A_256 = arith.constant 26 : i32
          %parallel_loop3A_257 = vector.broadcast %parallel_loop3A_256 : i32 to vector<16xi32>
          %parallel_loop3A_258 = arith.addi %parallel_loop3A_177, %parallel_loop3A_257 : vector<16xi32>
          tpu.vector_store_idx %arg18[%parallel_loop3A_258], %parallel_loop3A_171 : memref<10800xf32, #tpu.memory_space<vmem>>[vector<16xi32>], vector<16xf32>,
        } {sc.loop_unroll_factor = 2 : i64, sc.parallel_access}
        %mul3A_100 = arith.constant 32 : i32
        %mul3A_101 = arith.muli %add3A_75, %mul3A_100 : i32
        %add3A_102 = arith.addi %add3A, %mul3A_101 : i32
        %mul3A_103 = arith.constant 400 : i32
        %mul3A_104 = arith.muli %add3A_102, %mul3A_103 : i32
        %mul3A_105 = arith.constant 27 : i32
        %mul3A_106 = arith.muli %mul3A_104, %mul3A_105 : i32
        %dma_start3A_107 = tpu.memref_slice %arg7[%mul3A_106] : memref<13500000xf32, #tpu.memory_space<hbm>> -> memref<10800xf32, #tpu.memory_space<hbm>>
        %dma_start3A_108 = tpu.memref_slice %arg7[%mul3A_106] : memref<13500000xf32, #tpu.memory_space<hbm>> -> memref<10800xf32, #tpu.memory_space<hbm>>
        tpu.enqueue_dma source(%arg18 : memref<10800xf32, #tpu.memory_space<vmem>>) target(%dma_start3A_108 : memref<10800xf32, #tpu.memory_space<hbm>>) target_semaphore(%arg22 : memref<!tpu.dma_semaphore, #tpu.memory_space<semaphore_mem>>)
        %add3A_109 = arith.constant 2 : i32
        %add3A_110 = arith.addi %add3A_75, %add3A_109 : i32
        %lt3A_111 = arith.cmpi slt, %add3A_110, %add3A_20 : i32
        %convert_element_type3A_112 = arith.extui %lt3A_111 : i1 to i32
        %cond3A_113 = arith.constant 0 : i32
        %cond3A_114 = arith.cmpi ne, %convert_element_type3A_112, %cond3A_113 : i32
        scf.if %cond3A_114 {
          %add3A_115 = arith.constant 2 : i32
          %add3A_116 = arith.addi %add3A_75, %add3A_115 : i32
          %mul3A_117 = arith.constant 32 : i32
          %mul3A_118 = arith.muli %add3A_116, %mul3A_117 : i32
          %add3A_119 = arith.addi %add3A, %mul3A_118 : i32
          %mul3A_120 = arith.constant 400 : i32
          %mul3A_121 = arith.muli %add3A_119, %mul3A_120 : i32
          %dma_start3A_122 = tpu.memref_slice %arg6[%mul3A_121] : memref<500000xi32, #tpu.memory_space<hbm>> -> memref<400xi32, #tpu.memory_space<hbm>>
          %dma_start3A_123 = tpu.memref_slice %arg6[%mul3A_121] : memref<500000xi32, #tpu.memory_space<hbm>> -> memref<400xi32, #tpu.memory_space<hbm>>
          tpu.enqueue_dma source(%dma_start3A_123 : memref<400xi32, #tpu.memory_space<hbm>>) target(%arg10 : memref<400xi32, #tpu.memory_space<vmem>>) target_semaphore(%arg20 : memref<!tpu.dma_semaphore, #tpu.memory_space<semaphore_mem>>)
          %dma_start3A_124 = tpu.memref_slice %arg3[%mul3A_121] : memref<500000xf32, #tpu.memory_space<hbm>> -> memref<400xf32, #tpu.memory_space<hbm>>
          %dma_start3A_125 = tpu.memref_slice %arg3[%mul3A_121] : memref<500000xf32, #tpu.memory_space<hbm>> -> memref<400xf32, #tpu.memory_space<hbm>>
          tpu.enqueue_dma source(%dma_start3A_125 : memref<400xf32, #tpu.memory_space<hbm>>) target(%arg12 : memref<400xf32, #tpu.memory_space<vmem>>) target_semaphore(%arg20 : memref<!tpu.dma_semaphore, #tpu.memory_space<semaphore_mem>>)
          %dma_start3A_126 = tpu.memref_slice %arg4[%mul3A_121] : memref<500000xf32, #tpu.memory_space<hbm>> -> memref<400xf32, #tpu.memory_space<hbm>>
          %dma_start3A_127 = tpu.memref_slice %arg4[%mul3A_121] : memref<500000xf32, #tpu.memory_space<hbm>> -> memref<400xf32, #tpu.memory_space<hbm>>
          tpu.enqueue_dma source(%dma_start3A_127 : memref<400xf32, #tpu.memory_space<hbm>>) target(%arg14 : memref<400xf32, #tpu.memory_space<vmem>>) target_semaphore(%arg20 : memref<!tpu.dma_semaphore, #tpu.memory_space<semaphore_mem>>)
          %dma_start3A_128 = tpu.memref_slice %arg5[%mul3A_121] : memref<500000xf32, #tpu.memory_space<hbm>> -> memref<400xf32, #tpu.memory_space<hbm>>
          %dma_start3A_129 = tpu.memref_slice %arg5[%mul3A_121] : memref<500000xf32, #tpu.memory_space<hbm>> -> memref<400xf32, #tpu.memory_space<hbm>>
          tpu.enqueue_dma source(%dma_start3A_129 : memref<400xf32, #tpu.memory_space<hbm>>) target(%arg16 : memref<400xf32, #tpu.memory_space<vmem>>) target_semaphore(%arg20 : memref<!tpu.dma_semaphore, #tpu.memory_space<semaphore_mem>>)
        } else {
        }
      } else {
      }
      %scan3A_80 = arith.constant 0 : i32
      scf.yield %scan3A_80 : i32
    }
    %scan3A_49 = arith.constant 20 : i32
    %add3A_50 = arith.constant 0 : i32
    %add3A_51 = arith.addi %add3A, %add3A_50 : i32
    %mul3A_52 = arith.constant 400 : i32
    %mul3A_53 = arith.muli %add3A_51, %mul3A_52 : i32
    %mul3A_54 = arith.constant 27 : i32
    %mul3A_55 = arith.muli %mul3A_53, %mul3A_54 : i32
    %dma_wait3A = tpu.memref_slice %arg7[%mul3A_55] : memref<13500000xf32, #tpu.memory_space<hbm>> -> memref<10800xf32, #tpu.memory_space<hbm>>
    %dma_wait3A_56 = tpu.memref_slice %arg7[%mul3A_55] : memref<13500000xf32, #tpu.memory_space<hbm>> -> memref<10800xf32, #tpu.memory_space<hbm>>
    tpu.wait_dma2 semaphore(%arg21 : memref<!tpu.dma_semaphore, #tpu.memory_space<semaphore_mem>>) src(%arg17 : memref<10800xf32, #tpu.memory_space<vmem>>) dst(%dma_wait3A_56 : memref<10800xf32, #tpu.memory_space<hbm>>)
    %add3A_57 = arith.constant 32 : i32
    %add3A_58 = arith.addi %add3A, %add3A_57 : i32
    %mul3A_59 = arith.constant 400 : i32
    %mul3A_60 = arith.muli %add3A_58, %mul3A_59 : i32
    %mul3A_61 = arith.constant 27 : i32
    %mul3A_62 = arith.muli %mul3A_60, %mul3A_61 : i32
    %dma_wait3A_63 = tpu.memref_slice %arg7[%mul3A_62] : memref<13500000xf32, #tpu.memory_space<hbm>> -> memref<10800xf32, #tpu.memory_space<hbm>>
    %dma_wait3A_64 = tpu.memref_slice %arg7[%mul3A_62] : memref<13500000xf32, #tpu.memory_space<hbm>> -> memref<10800xf32, #tpu.memory_space<hbm>>
    tpu.wait_dma2 semaphore(%arg22 : memref<!tpu.dma_semaphore, #tpu.memory_space<semaphore_mem>>) src(%arg18 : memref<10800xf32, #tpu.memory_space<vmem>>) dst(%dma_wait3A_64 : memref<10800xf32, #tpu.memory_space<hbm>>)
    return
  }
}

</mosaic_0001>

<sc_bundles>
// kernel: _sc_main.3.cloned.1.call-start
scs
__scs_entry_jumppad:
0x0: {  	(pc) =	sbr.rel $0x88, $3  }
0x1: {  	(tag) =	ssettag $0x0;
	lr =	simm.s32 $0x1  }
0x2: {  	[smem:$0x3F9C] =	sst lr;
	_ =	strace $0xD0000000  }
0x3: {  	_ = 	snop  }
0x4: {  	_ = 	snop  }
0x5: {  	_ = 	snop  }
0x6: {  	_ = 	snop  }
0x7: {  	_ = 	snop  }
__scs_overlays_trampoline_lowered:
0x8: {  	[smem:$0x3FAB] =	sst s0  }
0x9: {  	[smem:$0x3FAC] =	sst s1  }
0xa: {  	[smem:$0x3FAD] =	sst s2  }
0xb: {  	[smem:$0x3FAE] =	sst s3  }
0xc: {  	[smem:$0x3FAF] =	sst s4  }
0xd: {  	[smem:$0x3FB0] =	sst s5  }
0xe: {  	[smem:$0x3FB1] =	sst s6  }
0xf: {  	[smem:$0x3FB2] =	sst s7  }
0x10: {  	[smem:$0x3FB3] =	sst s8  }
0x11: {  	[smem:$0x3FB4] =	sst s9;
	s0 =	simm.s32 @!p0 $0x0  }
0x12: {  	s1 =	sld [smem:$0x3F9A];
	s0 =	simm.s32 @p0 $0x1  }
0x13: {  	[smem:$0x3FB5] =	sst s0;
	s0 =	simm.s32 @!p1 $0x0  }
0x14: {  	s2 =	sld [smem:$0x3F99];
	s0 =	simm.s32 @p1 $0x1  }
0x15: {  	[smem:$0x3FB6] =	sst s0;
	s0 =	simm.s32 @!p2 $0x0  }
0x16: {  	s3 =	sld [smem:$0x3FDB];
	s0 =	simm.s32 @p2 $0x1  }
0x17: {  	s4 =	simm.s32 $0x1BF5;
	[smem:$0x3FB8] =	sst s0  }
0x18: {  	s0 =	sld [smem:$0x3F9B];
	_ =	swait.ge [sflag:s4], $0x0  }
0x19: {  	s7 =	sld [smem:$0x3F9C]  }
0x1a: {  	s8 =	sadd.s32 $0xFFFFE003, lr  }
0x1b: {  	s9 =	sadd.s32 $0xFFFFFEF7, lr;
	s5 =	simm.s32 $0xFFFFFFFF;
	p2 =	slt.u32 s8, $0xFFFFF086  }
0x1c: {  	p1 =	slt.u32 s9, $0xF7A;
	s5 =	simm.s32 @!p2 $0x0  }
0x1d: {  	s5 =	simm.s32 @p1 $0x1;
	p0 =	seq.s32 s7, s2  }
0x1e: {  	s7 =	smul.u32 @!p0 $0xF7A, s2;
	p2 =	seq.s32 @!p0 s5, $0x0  }
0x1f: {  	s9 =	smul.u32 $0xF7A, s1;
	s8 =	simm.s32 @!p0 $0x1BF5;
	p2 =	por !p2, p0  }
0x20: {  	[sflag:s8] =	ssyncset.s32 @!p0 $0xFFFFF086;
	s6 =	sadd.s32 @!p0 s3, s7;
	s7 =	simm.s32 @!p0 $0x108  }
0x21: {  	s3 =	sadd.s32 s3, s9;
	s6 =	sadd.s32 @!p0 $0x88, s6;
	s7 =	simm.s32 @p2 $0x1082  }
0x22: {  	[simem:s7], [sflag:s8] =	dma.local @!p0 [hbm:s6], $0xF7A  }
0x23: {  	s9 =	sor.u32 $0xD0000000, s2;
	s6 =	simm.s32 $0x108;
	_ =	swait.ge @!p0 [sflag:s8], $0x0  }
0x24: {  	s3 =	sadd.s32 $0x88, s3;
	s6 =	simm.s32 @!p1 $0x1082;
	[sflag:s4] =	ssyncset.s32 $0xFFFFF086  }
0x25: {  	[simem:s6], [sflag:s4] =	dma.local [hbm:s3], $0xF7A  }
0x26: {  	[smem:$0x3F9C] =	sst s1;
	(tag) =	ssettag s2;
	_ =	strace s9  }
0x27: {  	s1 =	sld [smem:$0x3FAC]  }
0x28: {  	s2 =	sld [smem:$0x3FAD]  }
0x29: {  	s4 =	sld [smem:$0x3FAF]  }
0x2a: {  	p0 =	seq.s32 s5, $0x0;
	s5 =	sld [smem:$0x3FB0]  }
0x2b: {  	s6 =	sld [smem:$0x3FB1]  }
0x2c: {  	s7 =	sld [smem:$0x3FB2]  }
0x2d: {  	s3 =	simm.s32 $0x108;
	s8 =	sld [smem:$0x3FB3]  }
0x2e: {  	s3 =	simm.s32 @!p0 $0x1082;
	s9 =	sld [smem:$0x3FB4]  }
0x2f: {  	lr =	sadd.s32 s0, s3;
	s0 =	sld [smem:$0x3FAB]  }
0x30: {  	s3 =	sld [smem:$0x3FAE]  }
0x31: {  	[smem:$0x3FB7] =	sst s10  }
0x32: {  	s10 =	sld [smem:$0x3FB5];
	_ =	sdelay $0x3  }
0x33: {  	p0 =	seq.s32 s10, $0x1;
	s10 =	sld [smem:$0x3FB7];
	_ =	sdelay $0x3  }
0x34: {  	[smem:$0x3FB7] =	sst s10  }
0x35: {  	s10 =	sld [smem:$0x3FB6];
	_ =	sdelay $0x3  }
0x36: {  	p1 =	seq.s32 s10, $0x1;
	s10 =	sld [smem:$0x3FB7];
	_ =	sdelay $0x3  }
0x37: {  	[smem:$0x3FB7] =	sst s10  }
0x38: {  	s10 =	sld [smem:$0x3FB8]  }
0x39: {  	_ = 	snop;
	(pc) =	sbr.ind lr, $3  }
0x3a: {  	_ = 	snop  }
0x3b: {  	_ = 	snop  }
0x3c: {  	p2 =	seq.s32 s10, $0x1;
	s10 =	sld [smem:$0x3FB7]  }
0x3d: {  	_ =	shalt  }
0x3e: {  	_ =	shalt  }
0x3f: {  	_ =	shalt  }
0x40: {  	_ =	shalt  }
0x41: {  	_ =	shalt  }
0x42: {  	_ =	shalt  }
0x43: {  	_ =	shalt  }
0x44: {  	_ =	shalt  }
0x45: {  	_ =	shalt  }
0x46: {  	_ =	shalt  }
0x47: {  	_ =	shalt  }
0x48: {  	_ =	shalt  }
0x49: {  	_ =	shalt  }
0x4a: {  	_ =	shalt  }
0x4b: {  	_ =	shalt  }
0x4c: {  	_ =	shalt  }
0x4d: {  	_ =	shalt  }
0x4e: {  	_ =	shalt  }
0x4f: {  	_ =	shalt  }
0x50: {  	_ =	shalt  }
0x51: {  	_ =	shalt  }
0x52: {  	_ =	shalt  }
0x53: {  	_ =	shalt  }
0x54: {  	_ =	shalt  }
0x55: {  	_ =	shalt  }
0x56: {  	_ =	shalt  }
0x57: {  	_ =	shalt  }
0x58: {  	_ =	shalt  }
0x59: {  	_ =	shalt  }
0x5a: {  	_ =	shalt  }
0x5b: {  	_ =	shalt  }
0x5c: {  	_ =	shalt  }
0x5d: {  	_ =	shalt  }
0x5e: {  	_ =	shalt  }
0x5f: {  	_ =	shalt  }
0x60: {  	_ =	shalt  }
0x61: {  	_ =	shalt  }
0x62: {  	_ =	shalt  }
0x63: {  	_ =	shalt  }
0x64: {  	_ =	shalt  }
0x65: {  	_ =	shalt  }
0x66: {  	_ =	shalt  }
0x67: {  	_ =	shalt  }
0x68: {  	_ =	shalt  }
0x69: {  	_ =	shalt  }
0x6a: {  	_ =	shalt  }
0x6b: {  	_ =	shalt  }
0x6c: {  	_ =	shalt  }
0x6d: {  	_ =	shalt  }
0x6e: {  	_ =	shalt  }
0x6f: {  	_ =	shalt  }
0x70: {  	_ =	shalt  }
0x71: {  	_ =	shalt  }
0x72: {  	_ =	shalt  }
0x73: {  	_ =	shalt  }
0x74: {  	_ =	shalt  }
0x75: {  	_ =	shalt  }
0x76: {  	_ =	shalt  }
0x77: {  	_ =	shalt  }
0x78: {  	_ =	shalt  }
0x79: {  	_ =	shalt  }
0x7a: {  	_ =	shalt  }
0x7b: {  	_ =	shalt  }
0x7c: {  	_ =	shalt  }
0x7d: {  	_ =	shalt  }
0x7e: {  	_ =	shalt  }
0x7f: {  	_ =	shalt  }
0x80: {  	_ =	shalt  }
0x81: {  	_ =	shalt  }
0x82: {  	_ =	shalt  }
0x83: {  	_ =	shalt  }
0x84: {  	_ =	shalt  }
0x85: {  	_ =	shalt  }
0x86: {  	_ =	shalt  }
0x87: {  	_ =	shalt  }
.Lfunc_end0:
.L_simem_size_0:
called_computation_lowered:
.L_overlay_start_0:
0x88: {  	s2 =	sld [smem:$0x3FD9]  }
0x89: {  	s3 =	sld [smem:$0x3FFE];
	_ =	sdelay $0x1  }
0x8a: {  	s1 =	srdreg.scid  }
0x8b: {  	s0 =	sand.u32 $0x1, s1  }
0x8c: {  	s18 =	sshll.u32 s0, $0xA;
	s2 =	sadd.s32 s3, s2  }
0x8d: {  	s2 =	sadd.s32 s2, s18  }
0x8e: {  	[smem:$0x3FC3] =	sst s2  }
0x8f: {  	_ = 	snop  }
0x90: {  	s2 =	sld [smem:$0x3FC9]  }
0x91: {  	s19 =	sld [smem:$0x3FC8]  }
0x92: {  	s4 =	sld [smem:$0x3FC7]  }
0x93: {  	s5 =	sld [smem:$0x3FC6]  }
0x94: {  	s6 =	sld [smem:$0x3FC5]  }
0x95: {  	s7 =	sld [smem:$0x3FD0];
	(tm) =	ssettm $0x1  }
0x96: {  	s8 =	sld [smem:$0x3FFB];
	_ =	sdelay $0x3  }
0x97: {  	_ =	strace s8  }
0x98: {  	s8 =	sld [smem:$0x3FFC];
	_ =	sdelay $0x3  }
0x99: {  	_ =	strace s8  }
0x9a: {  	s8 =	sld [smem:$0x3FFD];
	_ =	sdelay $0x3  }
0x9b: {  	_ =	strace s8  }
0x9c: {  	_ =	strace $0x8FFFFFFF  }
0x9d: {  	s20 =	sld [smem:$0x3FDB];
	_ =	sdelay $0x1  }
0x9e: {  	s9 =	simm.s32 $_scs_section_size  }
0x9f: {  	s10 =	simm.s32 $_size__tile_overlayer_lowered;
	s11 =	simm.s32 $_tile_overlayer_lowered  }
0xa0: {  	s23 =	simm.s32 $0x1BFF;
	s22 =	sshll.u32 s11, $0x1;
	s8 =	sadd.s32 s9, s20  }
0xa1: {  	s12 =	simm.s32 $0x0;
	s21 =	sshll.u32 s10, $0x1;
	s10 =	sadd.s32 s22, s8  }
0xa2: {  	[timem:s12], [sflag:s23] =	dma.local [hbm:s10], s21  }
0xa3: {  	_ =	swait.ge [sflag:s23], s21  }
0xa4: {  	s9 =	ssub.s32 $0x0, s21;
	[sflag:s23] =	ssyncset.done $0x0  }
0xa5: {  	[sflag:s23] =	ssyncadd.s32 s9;
	_ =	sdelay $0x1  }
0xa6: {  	s24 =	simm.s32 $0x1B8B  }
0xa7: {  	_ =	swait.ge [sflag:s24], $0x1  }
0xa8: {  	[sflag:s24] =	ssyncset.done $0x0  }
0xa9: {  	s25 =	simm.s32 $0x1B8E;
	[sflag:s24] =	ssyncadd.s32 $0xFFFFFFFF  }
0xaa: {  	s26 =	simm.s32 $execute0_lowered;
	[smem:$0x3FD2] =	sst s25  }
0xab: {  	s9 =	sshll.u32 s26, $0x1;
	_ =	strace $0x80000046;
	[dreg:$0x1] =	wrdreg $0xFFFFFFFF  }
0xac: {  	s28 =	simm.s32 $_size_execute0_lowered;
	s8 =	sadd.s32 s8, s9;
	[dreg:$0x0] =	wrdreg $0x0  }
0xad: {  	s9 =	sshll.u32 s28, $0x1;
	[dreg:$0x2] =	wrdreg s8  }
0xae: {  	[dreg:$0x3] =	wrdreg s9  }
0xaf: {  	[dreg:$0x4] =	wrdreg $0xC0  }
0xb0: {  	_ =	task [dreg:s12], $0x5FFFF  }
0xb1: {  	[dreg:$0x1] =	wrdreg $0xFFFFFFFF  }
0xb2: {  	[dreg:$0x0] =	wrdreg $0x60  }
0xb3: {  	[dreg:$0x2] =	wrdreg s2  }
0xb4: {  	[dreg:$0x3] =	wrdreg s19  }
0xb5: {  	[dreg:$0x4] =	wrdreg s4  }
0xb6: {  	[dreg:$0x5] =	wrdreg s5  }
0xb7: {  	[dreg:$0x6] =	wrdreg s6  }
0xb8: {  	[dreg:$0x7] =	wrdreg s7  }
0xb9: {  	[dreg:$0x8] =	wrdreg $0x9  }
0xba: {  	_ =	task.clear_ibuf [dreg:s12], $0x9FFFF;
	_ =	strace $0x90000046  }
0xbb: {  	s29 =	simm.s32 $0x9;
	_ =	strace $0x80000048  }
0xbc: {  	_ =	swait.ge [sflag:s29], $0x1  }
0xbd: {  	[sflag:s29] =	ssyncadd.s32 $0xFFFFFFFF  }
0xbe: {  	_ =	strace $0x90000048  }
0xbf: {  	_ =	sfence  }
0xc0: {  	s30 =	sld [smem:$0x0];
	_ =	sdelay $0x2  }
0xc1: {  	s31 =	sshll.u32 s1, $0xD;
	s1 =	sshrl.u32 s1, $0x2  }
0xc2: {  	s3 =	sand.u32 $0x4000, s31;
	s1 =	sadd.s32 s1, s30  }
0xc3: {  	s0 =	sor.u32 s3, s0;
	s1 =	sshll.u32 s1, $0x11  }
0xc4: {  	s0 =	sor.u32 s1, s0  }
0xc5: {  	s0 =	sadd.s32 $0x8F2B, s0  }
0xc6: {  	[sflag:s0] =	ssyncadd.remote.s32 $0x1  }
0xc7: {  	_ =	sfence.sel $0xFFFF  }
0xc8: {  	[dreg:$0x0] =	wrdreg $0xFFFFFFFF;
	(pc) =	sbr.abs _section_cstart, $3  }
0xc9: {  	[dreg:$0x1] =	wrdreg $0xFFFFFFFF  }
0xca: {  	_ =	task.clear_ibuf [dreg:s12], $0x2FFFF;
	_ =	strace $0x9FFFFFFF  }
0xcb: {  	(tm) =	ssettm $0x7FFFFFFF  }
tec
execute0_lowered:
.L_overlay_start_1:
0x0: {  	(tag) =	ssettag $0x1  }
0x1: {  	v1 =	vlaneseq.u32  }
0x2: {  	s1 =	rddreg [dreg:$0x1];
	v29 =	vmul.u32 $0x1B, v1  }
0x3: {  	s2 =	rddreg [dreg:$0x2];
	v0 =	vimm.s32 $0x52741630  }
0x4: {  	s3 =	rddreg [dreg:$0x3];
	v2 =	vunpack.c.l.s4.s8 v0;
	v0 =	vadd.s32 $0x2, v29  }
0x5: {  	s5 =	rddreg [dreg:$0x4];
	s8 =	simm.s32 $0x0;
	[tilespmem:$0x1FE00] =	vst v0;
	v0 =	vadd.s32 $0x3, v29  }
0x6: {  	[smem:$0x7FF] =	sst s8;
	v19 =	vadd.s32 $0x1, v29;
	[tilespmem:$0x1FE10] =	vst v0  }
0x7: {  	s6 =	rddreg [dreg:$0x5];
	v61 =	vadd.s32 $0x17, v29;
	_ =	strace $0x80000047;
	[tilespmem:$0x1FF30] =	vst v19  }
0x8: {  	v59 =	vadd.s32 $0x12, v29;
	[tilespmem:$0x1FF40] =	vst v61  }
0x9: {  	v60 =	vadd.s32 $0x16, v29;
	[tilespmem:$0x1FF50] =	vst v59  }
0xa: {  	v4 =	vimm.s32 $0x74163052;
	v21 =	vadd.s32 $0x15, v29;
	[tilespmem:$0x1FF60] =	vst v60  }
0xb: {  	v5 =	vunpack.c.l.s4.s8 v4;
	v4 =	vimm.s32 $0x5274163;
	[tilespmem:$0x1FF70] =	vst v21  }
0xc: {  	v7 =	vunpack.c.l.s4.s8 v4;
	v22 =	vadd.s32 $0x4, v29;
	[tilespmem:$0x1FF80] =	vst v29  }
0xd: {  	v9 =	vimm.s32 $0x16305274;
	v31 =	vadd.s32 $0x14, v29;
	[tilespmem:$0x1FF90] =	vst v22  }
0xe: {  	v9 =	vunpack.c.l.s4.s8 v9;
	v33 =	vadd.s32 $0x13, v29;
	v0 =	vunpack.c.0.s8.s32 v7;
	[tilespmem:$0x1FFA0] =	vst v31  }
0xf: {  	[tilespmem:$0x1FFC0] =	vst v33  }
0x10: {  	v10 =	vimm.s32 $0x27416305;
	v7 =	vadd.s32 $0x10, v29;
	[tilespmem:$0x1FE20] =	vst v0;
	v0 =	vunpack.c.0.s8.s32 v9  }
0x11: {  	v12 =	vunpack.c.l.s4.s8 v10;
	[tilespmem:$0x1FFD0] =	vst v7  }
0x12: {  	[tilespmem:$0x1FE30] =	vst v0;
	v0 =	vadd.s32 $0x5, v29  }
0x13: {  	v11 =	vimm.s32 $0x30527416;
	v18 =	vadd.s32 $0x1A, v29;
	[tilespmem:$0x1FE40] =	vst v0;
	v0 =	vunpack.c.0.s8.s32 v12  }
0x14: {  	v13 =	vunpack.c.l.s4.s8 v11;
	[tilespmem:$0x1FFE0] =	vst v18  }
0x15: {  	[tilespmem:$0x1FE50] =	vst v0;
	v0 =	vadd.s32 $0x6, v29  }
0x16: {  	v11 =	vimm.s32 $0x41630527;
	v32 =	vadd.s32 $0x18, v29;
	[tilespmem:$0x1FE60] =	vst v0;
	v0 =	vunpack.c.0.s8.s32 v13  }
0x17: {  	v15 =	vunpack.c.l.s4.s8 v11;
	[tilespmem:$0x1FFF0] =	vst v32  }
0x18: {  	s0 =	srdreg.scid;
	s4 =	stileid.u32;
	s21 =	simm.s32 $0x5;
	[tilespmem:$0x1FE70] =	vst v0;
	v0 =	vadd.s32 $0x7, v29  }
0x19: {  	s31 =	simm.s32 $0x1;
	s0 =	sand.u32 $0x1, s0;
	s4 =	sshll.u32 s4, $0x1;
	v9 =	vadd.s32 $0xE, v29;
	[tilespmem:$0x1FE80] =	vst v0;
	v0 =	vunpack.c.0.s8.s32 v15  }
0x1a: {  	s22 =	simm.s32 $0x3;
	s9 =	sor.u32 s0, s4;
	s0 =	ssub.s32 $0x2, s0;
	[tilespmem:$0x1FFB0] =	vst v9  }
0x1b: {  	s23 =	simm.s32 $0x4;
	s4 =	smul.u32 $0x190, s9;
	s7 =	sshrl.u32 s0, $0x1;
	[tilespmem:$0x1FE90] =	vst v0;
	v0 =	vadd.s32 $0x8, v29  }
0x1c: {  	s10 =	ssub.s32 $0x4E1, s9;
	s11 =	smul.u32 $0x32, s9;
	s19 =	sor.u32 $0x20, s9;
	[tilespmem:$0x1FEA0] =	vst v0;
	v0 =	vadd.s32 $0x9, v29  }
0x1d: {  	s0 =	ssub.s32 s0, s7;
	s10 =	sshrl.u32 s10, $0x5;
	s7 =	simm.s32 $0x2;
	[tilespmem:$0x1FEB0] =	vst v0;
	v0 =	vadd.s32 $0xA, v29  }
0x1e: {  	s4 =	sshrl.u32 s4, $0x3;
	s24 =	sadd.s32 s5, s11;
	s25 =	sadd.s32 s1, s11;
	[tilespmem:$0x1FEC0] =	vst v0;
	v0 =	vadd.s32 $0xB, v29  }
0x1f: {  	s26 =	sadd.s32 s2, s11;
	s28 =	sadd.s32 s3, s11;
	[dreg:$0x7] =	wrdreg s24;
	[tilespmem:$0x1FED0] =	vst v0;
	v0 =	vadd.s32 $0xC, v29  }
.Ltmp0:
0x20: {  	s20 =	smax.u32 s0, $0x1;
	[dreg:$0x8] =	wrdreg s25;
	[tilespmem:$0x1FEE0] =	vst v0;
	v0 =	vadd.s32 $0xD, v29;
	(pc) =	sbr.rel .LBB2_1-.Ltmp0, $4  }
0x21: {  	v3 =	vimm.s32 $0x63052741;
	s0 =	simm.s32 $0x16F30;
	s4 =	sadd.s32 $0x640, s4;
	[dreg:$0x9] =	wrdreg s26;
	[tilespmem:$0x1FEF0] =	vst v0;
	v0 =	vadd.s32 $0xF, v29  }
0x22: {  	v3 =	vunpack.c.l.s4.s8 v3;
	[dreg:$0xa] =	wrdreg s28;
	s24 =	simm.s32 $0x0;
	s29 =	sadd.s32 s5, s4;
	[tilespmem:$0x1FF00] =	vst v0;
	v0 =	vadd.s32 $0x11, v29  }
0x23: {  	s30 =	sadd.s32 s1, s4;
	s17 =	sadd.s32 s2, s4;
	[dreg:$0xb] =	wrdreg s29;
	[tilespmem:$0x1FF10] =	vst v0;
	v0 =	vadd.s32 $0x19, v29  }
0x24: {  	v1 =	vunpack.c.0.s8.s32 v2;
	v3 =	vunpack.c.0.s8.s32 v3;
	v5 =	vunpack.c.0.s8.s32 v5;
	s18 =	sadd.s32 s3, s4;
	s4 =	simm.s32 $0x14500;
	[dreg:$0xc] =	wrdreg s30;
	[tilespmem:$0x1FF20] =	vst v0  }
.LBB2_9:
0x25: {  	s24 =	sadd.s32 $0x1, s24  }
0x26: {  	_ =	swait.ge [sflag:s22], $0x2A30;
	p0 =	sne.s32 s24, s20  }
.Ltmp1:
0x27: {  	[sflag:s22] =	ssyncset.done $0x0;
	(pc) =	sbr.rel @!p0 .LBB2_10-.Ltmp1, $4  }
0x28: {  	[sflag:s22] =	ssyncadd.s32 $0xFFFFD5D0  }
0x29: {  	_ =	swait.ge [sflag:s23], $0x2A30  }
0x2a: {  	[sflag:s23] =	ssyncset.done $0x0  }
0x2b: {  	[sflag:s23] =	ssyncadd.s32 $0xFFFFD5D0  }
.LBB2_1:
0x2c: {  	s11 =	rddreg [dreg:$0x0]  }
0x2d: {  	[tilespmem:s8], [sflag:$0x5] =	stream.linear.gather [hbm4b:s11+s8], $0x13880, $0x38;
	[tilespmem:$0x19960] =	vst v63  }
0x2e: {  	_ =	swait.ge [sflag:s21], $0x13880  }
0x2f: {  	[sflag:s21] =	ssyncset.done $0x0  }
0x30: {  	s12 =	simm.s32 $0x13880;
	s28 =	rddreg [dreg:$0x7];
	[sflag:s21] =	ssyncadd.s32 $0xFFFEC780  }
0x31: {  	[tilespmem:s12], [sflag:$0x1] =	stream.linear.gather [hbm4b:s28+s8], $0x190, $0x38;
	[tilespmem:$0x19960] =	vst v63  }
0x32: {  	s30 =	simm.s32 $0x13BA0;
	s29 =	rddreg [dreg:$0x8]  }
0x33: {  	[tilespmem:s30], [sflag:$0x1] =	stream.linear.gather [hbm4b:s29+s8], $0x190, $0x38;
	[tilespmem:$0x19960] =	vst v63  }
0x34: {  	s13 =	simm.s32 $0x13EC0;
	s12 =	rddreg [dreg:$0x9]  }
0x35: {  	[tilespmem:s13], [sflag:$0x1] =	stream.linear.gather [hbm4b:s12+s8], $0x190, $0x38;
	[tilespmem:$0x19960] =	vst v63  }
0x36: {  	s15 =	simm.s32 $0x141E0;
	s14 =	rddreg [dreg:$0xa]  }
0x37: {  	[tilespmem:s15], [sflag:$0x1] =	stream.linear.gather [hbm4b:s14+s8], $0x190, $0x38;
	[tilespmem:$0x19960] =	vst v63  }
0x38: {  	s25 =	simm.s32 $0x13A10;
	s16 =	rddreg [dreg:$0xb]  }
0x39: {  	[tilespmem:s25], [sflag:$0x2] =	stream.linear.gather [hbm4b:s16+s8], $0x190, $0x38;
	[tilespmem:$0x19960] =	vst v63  }
0x3a: {  	s26 =	rddreg [dreg:$0xc];
	s28 =	simm.s32 $0x13D30  }
0x3b: {  	[tilespmem:s28], [sflag:$0x2] =	stream.linear.gather [hbm4b:s26+s8], $0x190, $0x38;
	[tilespmem:$0x19960] =	vst v63  }
.Ltmp2:
0x3c: {  	_ = 	snop;
	(pc) =	sbr.rel .LBB2_2-.Ltmp2, $4  }
0x3d: {  	s29 =	simm.s32 $0x14050  }
0x3e: {  	[tilespmem:s29], [sflag:$0x2] =	stream.linear.gather [hbm4b:s17+s8], $0x190, $0x38;
	[tilespmem:$0x19960] =	vst v63  }
0x3f: {  	s30 =	simm.s32 $0x14370;
	s25 =	simm.s32 $0x0  }
0x40: {  	[tilespmem:s30], [sflag:$0x2] =	stream.linear.gather [hbm4b:s18+s8], $0x190, $0x38;
	[tilespmem:$0x19960] =	vst v63  }
.LBB2_8:
0x41: {  	s25 =	sadd.s32 $0x1, s25  }
0x42: {  	p0 =	sne.s32 s25, $0x14  }
.Ltmp3:
0x43: {  	_ = 	snop;
	(pc) =	sbr.rel @!p0 .LBB2_9-.Ltmp3, $2  }
0x44: {  	_ =	sdelay $0x2  }
0x45: {  	v19 =	vld [tilespmem:$0x1FF30]  }
.LBB2_2:
0x46: {  	_ =	swait.ge [sflag:s31], $0x190  }
0x47: {  	[sflag:s31] =	ssyncset.done $0x0  }
0x48: {  	[sflag:s31] =	ssyncadd.s32 $0xFFFFFE70  }
0x49: {  	_ =	swait.ge [sflag:s31], $0x190  }
0x4a: {  	[sflag:s31] =	ssyncset.done $0x0  }
0x4b: {  	[sflag:s31] =	ssyncadd.s32 $0xFFFFFE70  }
0x4c: {  	_ =	swait.ge [sflag:s31], $0x190  }
0x4d: {  	[sflag:s31] =	ssyncset.done $0x0  }
0x4e: {  	[sflag:s31] =	ssyncadd.s32 $0xFFFFFE70  }
0x4f: {  	_ =	swait.ge [sflag:s31], $0x190  }
0x50: {  	p0 =	seq.s32 s25, $0x0;
	[sflag:s31] =	ssyncset.done $0x0  }
0x51: {  	s11 =	simm.s32 @!p0 $0x3;
	[sflag:s31] =	ssyncadd.s32 $0xFFFFFE70  }
0x52: {  	_ =	swait.ge @!p0 [sflag:s11], $0x2A30  }
0x53: {  	[sflag:s11] =	ssyncset.done @!p0 $0x0  }
0x54: {  	s15 =	simm.s32 $0x13890;
	[sflag:s11] =	ssyncadd.s32 @!p0 $0xFFFFD5D0  }
0x55: {  	v35 =	vld [tilespmem:s15+$0xFFFFFFF0]  }
0x56: {  	v0 =	vld [tilespmem:$0x1FE00]  }
0x57: {  	v2 =	vld [tilespmem:$0x1FE10]  }
0x58: {  	s12 =	simm.s32 $0x141F0;
	v36 =	vld [tilespmem:s15+$0x0]  }
0x59: {  	s16 =	simm.s32 $0x13ED0;
	v39 =	vld [tilespmem:s12+$0xFFFFFFF0]  }
0x5a: {  	v40 =	vld [tilespmem:s16+$0x0];
	v42 =	vadd.s32 $0x2710, v35  }
0x5b: {  	s30 =	simm.s32 $0x13BB0;
	v43 =	vld [tilespmem:s16+$0xFFFFFFF0]  }
0x5c: {  	v45 =	vld [tilespmem:s30+$0xFFFFFFF0];
	v38 =	vadd.s32 $0x4E20, v35  }
0x5d: {  	v48 =	vadd.s32 $0x2710, v36;
	v46 =	vld.idx.msk [tilespmem:v35+s8+$0x0], $0xffff  }
0x5e: {  	s11 =	simm.s32 $0x0;
	v41 =	vld [tilespmem:s30+$0x0];
	v47 =	vadd.s32 $0x7530, v35  }
0x5f: {  	v63 =	vmov s11;
	v44 =	vadd.s32 $0x9C40, v35;
	v51 =	vadd.s32 $0x9C40, v36;
	v42 =	vld.idx.msk [tilespmem:v42+s8+$0x0], $0xffff  }
0x60: {  	v53 =	vadd.s32 $0x4E20, v36;
	v54 =	vadd.s32 $0xEA60, v35;
	v37 =	vadd.s32 $0xC350, v36;
	v49 =	vld.idx.msk [tilespmem:v36+s8+$0x0], $0xffff  }
0x61: {  	v56 =	vadd.s32 $0x11170, v36;
	v57 =	vadd.s32 $0x7530, v36;
	v52 =	vld.idx.msk [tilespmem:v38+s8+$0x0], $0xffff;
	v38 =	vmul.u32 $0x1B, v63  }
0x62: {  	v59 =	vadd.s32 $0xEA60, v36;
	v58 =	vmul.f32 v45, v46;
	v36 =	vmul.f32 v43, v46;
	v46 =	vld.idx.msk [tilespmem:v48+s8+$0x0], $0xffff  }
0x63: {  	s26 =	simm.s32 $0x10;
	v47 =	vld.idx.msk [tilespmem:v47+s8+$0x0], $0xffff;
	v38 =	vbroadcast v38, $0x0  }
0x64: {  	v62 =	vmov s26;
	v44 =	vld.idx.msk [tilespmem:v44+s8+$0x0], $0xffff;
	v43 =	vmul.f32 v43, v42;
	v42 =	vmul.f32 v45, v42  }
0x65: {  	v62 =	vmul.u32 $0x1B, v62;
	v61 =	vld [tilespmem:s12+$0x0];
	v50 =	vadd.s32 $0x11170, v35;
	v35 =	vadd.s32 $0xC350, v35  }
0x66: {  	v54 =	vld.idx.msk [tilespmem:v54+s8+$0x0], $0xffff;
	v48 =	vmul.f32 v41, v49;
	v60 =	vadd.s32 v29, v38;
	v36 =	vadd.f32 v36, v42  }
0x67: {  	v51 =	vld.idx.msk [tilespmem:v51+s8+$0x0], $0xffff;
	v49 =	vmul.f32 v40, v49;
	v60 =	vand.u32 $0xFFFFFFF8, v60;
	v32 =	vmul.f32 v41, v46  }
0x68: {  	v33 =	vld.idx.msk [tilespmem:v53+s8+$0x0], $0xffff;
	v40 =	vmul.f32 v40, v46;
	v6 =	vadd.f32 v36, v47;
	v36 =	vbroadcast v62, $0x0  }
0x69: {  	v57 =	vld.idx.msk [tilespmem:v57+s8+$0x0], $0xffff;
	v4 =	vadd.f32 v39, v44;
	v39 =	vadd.f32 v49, v32;
	v49 =	vor.u32 v1, v60  }
0x6a: {  	v50 =	vld.idx.msk [tilespmem:v50+s8+$0x0], $0xffff;
	v43 =	vsub.f32 v58, v43;
	v40 =	vsub.f32 v48, v40;
	v48 =	vadd.s32 v29, v36  }
0x6b: {  	v55 =	vld.idx.msk [tilespmem:v56+s8+$0x0], $0xffff;
	v41 =	vadd.f32 v6, v54;
	v44 =	vsub.f32 v6, v54;
	v54 =	vadd.s32 v19, v36  }
0x6c: {  	v53 =	vld.idx.msk [tilespmem:v59+s8+$0x0], $0xffff;
	v52 =	vadd.f32 v43, v52;
	v59 =	vadd.s32 v0, v36  }
0x6d: {  	v12 =	vld.idx.msk [tilespmem:v37+s8+$0x0], $0xffff;
	v60 =	vadd.f32 v40, v33  }
0x6e: {  	v35 =	vld.idx.msk [tilespmem:v35+s8+$0x0], $0xffff;
	v10 =	vadd.s32 v0, v38;
	v39 =	vadd.f32 v39, v57;
	[tilespmem:v49+s4+$0x0] =	vst.idx.msk $0xffff, v52  }
0x6f: {  	v51 =	vadd.f32 v61, v51;
	v42 =	vadd.f32 v4, v50;
	v0 =	vld [tilespmem:$0x1FE40];
	[tilespmem:v48+s4+$0x0] =	vst.idx.msk $0xffff, v60  }
0x70: {  	v46 =	vsub.f32 v4, v50;
	v50 =	vadd.s32 v2, v36;
	v24 =	vld [tilespmem:$0x1FE60];
	[tilespmem:v54+s4+$0x0] =	vst.idx.msk $0xffff, v39  }
0x71: {  	[tilespmem:v59+s4+$0x0] =	vst.idx.msk $0xffff, v51  }
0x72: {  	v25 =	vld [tilespmem:$0x1FE80]  }
0x73: {  	v34 =	vadd.s32 v22, v36;
	v62 =	vsub.f32 v60, v12  }
0x74: {  	v45 =	vadd.s32 v0, v36  }
0x75: {  	v47 =	vsub.f32 v52, v35;
	[tilespmem:v50+s4+$0x0] =	vst.idx.msk $0xffff, v62  }
0x76: {  	v43 =	vadd.f32 v52, v35;
	v35 =	vadd.f32 v39, v53;
	v26 =	vld [tilespmem:$0x1FEA0];
	v61 =	vadd.s32 v24, v36  }
0x77: {  	v37 =	vsub.f32 v51, v55;
	v32 =	vadd.s32 v25, v36  }
0x78: {  	[tilespmem:v34+s4+$0x0] =	vst.idx.msk $0xffff, v35  }
0x79: {  	v27 =	vld [tilespmem:$0x1FEB0];
	[tilespmem:v45+s4+$0x0] =	vst.idx.msk $0xffff, v37  }
0x7a: {  	v40 =	vsub.f32 v39, v53;
	v28 =	vld [tilespmem:$0x1FEC0]  }
0x7b: {  	v50 =	vadd.s32 v26, v36;
	[tilespmem:v61+s4+$0x0] =	vst.idx.msk $0xffff, v62  }
0x7c: {  	v29 =	vld [tilespmem:$0x1FED0];
	[tilespmem:v32+s4+$0x0] =	vst.idx.msk $0xffff, v40  }
0x7d: {  	v30 =	vld [tilespmem:$0x1FEE0]  }
0x7e: {  	v33 =	vadd.s32 v27, v36  }
0x7f: {  	v34 =	vadd.s32 v28, v36  }
0x80: {  	[tilespmem:v50+s4+$0x0] =	vst.idx.msk $0xffff, v37  }
0x81: {  	v39 =	vadd.f32 v51, v55;
	v31 =	vld [tilespmem:$0x1FEF0];
	v51 =	vadd.s32 v29, v36  }
0x82: {  	v53 =	vadd.s32 v30, v36  }
0x83: {  	[tilespmem:v33+s4+$0x0] =	vst.idx.msk $0xffff, v62  }
0x84: {  	v8 =	vadd.s32 v19, v38;
	v13 =	vadd.s32 v22, v38;
	[tilespmem:v34+s4+$0x0] =	vst.idx.msk $0xffff, v40  }
0x85: {  	v11 =	vadd.s32 v2, v38;
	v56 =	vand.u32 $0xFFFFFFF8, v8;
	v52 =	vadd.s32 v0, v38;
	v33 =	vld [tilespmem:$0x1FF00]  }
0x86: {  	v48 =	vadd.s32 v9, v36;
	v15 =	vand.u32 $0xFFFFFFF8, v52;
	v52 =	vadd.s32 v31, v36;
	v9 =	vld [tilespmem:$0x1FE20];
	[tilespmem:v51+s4+$0x0] =	vst.idx.msk $0xffff, v39  }
0x87: {  	v63 =	vand.u32 $0xFFFFFFF8, v11;
	v57 =	vand.u32 $0xFFFFFFF8, v10;
	v54 =	vor.u32 v3, v56;
	v11 =	vld [tilespmem:$0x1FE30];
	[tilespmem:v53+s4+$0x0] =	vst.idx.msk $0xffff, v62  }
0x88: {  	v58 =	vand.u32 $0xFFFFFFF8, v13;
	v56 =	vor.u32 v5, v57;
	v13 =	vld [tilespmem:$0x1FE50];
	_ =	sdelay $0x1  }
0x89: {  	v59 =	vadd.s32 v24, v38  }
0x8a: {  	v14 =	vadd.s32 v25, v38;
	v50 =	vadd.s32 v7, v36;
	v7 =	vld [tilespmem:$0x1FF10];
	[tilespmem:v52+s4+$0x0] =	vst.idx.msk $0xffff, v35  }
0x8b: {  	v59 =	vand.u32 $0xFFFFFFF8, v59;
	v0 =	vadd.s32 v26, v38;
	v2 =	vadd.s32 v27, v38;
	[tilespmem:v54+s4+$0x0] =	vst.idx.msk $0xffff, v6  }
0x8c: {  	v55 =	vand.u32 $0xFFFFFFF8, v14;
	v57 =	vor.u32 v9, v63;
	v53 =	vor.u32 v13, v15;
	v15 =	vld [tilespmem:$0x1FE70];
	[tilespmem:v56+s4+$0x0] =	vst.idx.msk $0xffff, v4  }
0x8d: {  	v45 =	vadd.f32 v60, v12;
	v61 =	vadd.s32 v28, v38;
	v63 =	vor.u32 v11, v58;
	v22 =	vld [tilespmem:$0x1FE90]  }
0x8e: {  	v32 =	vand.u32 $0xFFFFFFF8, v61;
	v60 =	vadd.s32 v31, v38;
	v34 =	vand.u32 $0xFFFFFFF8, v0  }
0x8f: {  	v52 =	vor.u32 v5, v32;
	v32 =	vadd.s32 v29, v38;
	v49 =	vadd.s32 v33, v36  }
0x90: {  	s28 =	sshll.u32 s25, $0x6;
	v58 =	vand.u32 $0xFFFFFFF8, v32;
	v51 =	vadd.s32 v7, v36;
	v56 =	vor.u32 v1, v34  }
0x91: {  	s13 =	simm.s32 $0x13EF0;
	s14 =	simm.s32 $0x14210;
	s26 =	sshll.u32 s25, $0x1;
	v34 =	vadd.s32 v30, v38;
	[tilespmem:v57+s4+$0x0] =	vst.idx.msk $0xffff, v47;
	v54 =	vor.u32 v15, v59;
	v59 =	vand.u32 $0xFFFFFFF8, v2  }
0x92: {  	s29 =	sor.u32 s9, s28;
	s12 =	simm.s32 $0x0;
	s15 =	simm.s32 $0x138B0;
	[tilespmem:v63+s4+$0x0] =	vst.idx.msk $0xffff, v41;
	v55 =	vor.u32 v22, v55;
	v57 =	vor.u32 v3, v59;
	v59 =	vand.u32 $0xFFFFFFF8, v34  }
.LBB2_3:
0x93: {  	v18 =	vld [tilespmem:$0x1FFB0]  }
0x94: {  	v20 =	vld [tilespmem:$0x1FFD0]  }
0x95: {  	v12 =	vld [tilespmem:$0x1FF50]  }
0x96: {  	[tilespmem:v53+s4+$0x0] =	vst.idx.msk $0xffff, v46  }
0x97: {  	v61 =	vadd.s32 v33, v38;
	[tilespmem:v54+s4+$0x0] =	vst.idx.msk $0xffff, v47  }
0x98: {  	v54 =	vor.u32 v9, v58;
	[tilespmem:v55+s4+$0x0] =	vst.idx.msk $0xffff, v44;
	v34 =	vadd.s32 v18, v38  }
0x99: {  	v58 =	vand.u32 $0xFFFFFFF8, v61;
	[tilespmem:v56+s4+$0x0] =	vst.idx.msk $0xffff, v46;
	v53 =	vand.u32 $0xFFFFFFF8, v34;
	v34 =	vadd.s32 v20, v38  }
0x9a: {  	v55 =	vor.u32 v11, v59;
	[tilespmem:v57+s4+$0x0] =	vst.idx.msk $0xffff, v47;
	v59 =	vand.u32 $0xFFFFFFF8, v34;
	v34 =	vadd.s32 v12, v38  }
0x9b: {  	[tilespmem:v52+s4+$0x0] =	vst.idx.msk $0xffff, v44;
	v52 =	vor.u32 v22, v58;
	v58 =	vand.u32 $0xFFFFFFF8, v34;
	v34 =	vld [tilespmem:$0x1FFC0];
	_ =	sdelay $0x2  }
0x9c: {  	v32 =	vand.u32 $0xFFFFFFF8, v60  }
0x9d: {  	v17 =	vld [tilespmem:$0x1FF70];
	v56 =	vor.u32 v13, v32;
	v32 =	vadd.s32 v7, v38  }
0x9e: {  	v16 =	vld [tilespmem:$0x1FF60];
	v57 =	vand.u32 $0xFFFFFFF8, v32;
	v32 =	vadd.s32 v34, v38  }
0x9f: {  	[tilespmem:v54+s4+$0x0] =	vst.idx.msk $0xffff, v42;
	v53 =	vor.u32 v15, v53;
	v54 =	vor.u32 v1, v59;
	v59 =	vand.u32 $0xFFFFFFF8, v32;
	v32 =	vld [tilespmem:$0x1FFA0]  }
0xa0: {  	v14 =	vld [tilespmem:$0x1FF40]  }
0xa1: {  	v0 =	vld [tilespmem:$0x1FFE0]  }
0xa2: {  	v23 =	vld [tilespmem:$0x1FF20];
	v62 =	vadd.s32 v17, v38;
	[tilespmem:v55+s4+$0x0] =	vst.idx.msk $0xffff, v47  }
0xa3: {  	v21 =	vld [tilespmem:$0x1FFF0];
	v63 =	vadd.s32 v16, v38;
	v47 =	vor.u32 v3, v57;
	[tilespmem:v56+s4+$0x0] =	vst.idx.msk $0xffff, v41  }
0xa4: {  	v56 =	vor.u32 v5, v58;
	[tilespmem:v53+s4+$0x0] =	vst.idx.msk $0xffff, v42;
	v60 =	vadd.s32 v32, v38  }
0xa5: {  	v57 =	vand.u32 $0xFFFFFFF8, v62;
	[tilespmem:v52+s4+$0x0] =	vst.idx.msk $0xffff, v43;
	v53 =	vor.u32 v9, v59;
	v61 =	vand.u32 $0xFFFFFFF8, v60  }
0xa6: {  	v58 =	vand.u32 $0xFFFFFFF8, v63;
	v63 =	vadd.s32 v0, v38;
	[tilespmem:v54+s4+$0x0] =	vst.idx.msk $0xffff, v41;
	v52 =	vor.u32 v11, v61  }
0xa7: {  	v54 =	vor.u32 v13, v57;
	v59 =	vadd.s32 v23, v38;
	v60 =	vadd.s32 v14, v38  }
0xa8: {  	v55 =	vand.u32 $0xFFFFFFF8, v60;
	v61 =	vadd.s32 v21, v38;
	v60 =	vld [tilespmem:s15+$0xFFFFFFF0];
	[tilespmem:v47+s4+$0x0] =	vst.idx.msk $0xffff, v46;
	v47 =	vor.u32 v15, v58  }
0xa9: {  	s30 =	sadd.s32 $0x20, s30;
	v62 =	vand.u32 $0xFFFFFFF8, v59;
	v59 =	vld [tilespmem:s15+$0x0];
	v57 =	vand.u32 $0xFFFFFFF8, v61;
	[tilespmem:v56+s4+$0x0] =	vst.idx.msk $0xffff, v43;
	v55 =	vor.u32 v22, v55  }
0xaa: {  	v38 =	vand.u32 $0xFFFFFFF8, v63;
	v63 =	vld [tilespmem:s30+$0x0];
	[tilespmem:v53+s4+$0x0] =	vst.idx.msk $0xffff, v44;
	v53 =	vor.u32 v1, v57  }
0xab: {  	v57 =	vld [tilespmem:s14+$0xFFFFFFF0];
	[tilespmem:v52+s4+$0x0] =	vst.idx.msk $0xffff, v46;
	v46 =	vor.u32 v3, v62  }
0xac: {  	v56 =	vld [tilespmem:s14+$0x0];
	[tilespmem:v54+s4+$0x0] =	vst.idx.msk $0xffff, v43  }
0xad: {  	v38 =	vor.u32 v5, v38;
	v52 =	vld [tilespmem:s13+$0x0];
	[tilespmem:v47+s4+$0x0] =	vst.idx.msk $0xffff, v44  }
0xae: {  	v61 =	vadd.s32 $0x4E20, v60;
	v47 =	vld [tilespmem:s13+$0xFFFFFFF0];
	[tilespmem:v55+s4+$0x0] =	vst.idx.msk $0xffff, v42  }
0xaf: {  	v44 =	vadd.s32 $0x9C40, v60;
	v6 =	vld [tilespmem:s30+$0xFFFFFFF0];
	[tilespmem:v53+s4+$0x0] =	vst.idx.msk $0xffff, v43  }
0xb0: {  	v58 =	vadd.s32 $0x2710, v60;
	v43 =	vld.idx.msk [tilespmem:v60+s8+$0x0], $0xffff;
	[tilespmem:v46+s4+$0x0] =	vst.idx.msk $0xffff, v41  }
0xb1: {  	v4 =	vadd.s32 $0xEA60, v60;
	v41 =	vld.idx.msk [tilespmem:v59+s8+$0x0], $0xffff;
	[tilespmem:v48+s4+$0x0] =	vst.idx.msk $0xffff, v39  }
0xb2: {  	v48 =	vadd.s32 v34, v36;
	v34 =	vadd.s32 v32, v36;
	v32 =	vld [tilespmem:$0x1FF80];
	[tilespmem:v38+s4+$0x0] =	vst.idx.msk $0xffff, v42  }
0xb3: {  	v55 =	vadd.s32 $0xC350, v60;
	v42 =	vld.idx.msk [tilespmem:v61+s8+$0x0], $0xffff  }
0xb4: {  	v14 =	vadd.s32 v14, v36;
	v2 =	vadd.s32 $0x2710, v59;
	v8 =	vadd.s32 $0x9C40, v59;
	v44 =	vld.idx.msk [tilespmem:v44+s8+$0x0], $0xffff  }
0xb5: {  	v10 =	vadd.s32 $0x11170, v59;
	v62 =	vadd.s32 $0x11170, v60;
	v53 =	vadd.s32 $0x7530, v60;
	v58 =	vld.idx.msk [tilespmem:v58+s8+$0x0], $0xffff  }
0xb6: {  	v54 =	vadd.s32 v0, v36;
	v0 =	vadd.s32 $0x4E20, v59;
	v38 =	vadd.s32 v12, v36;
	v4 =	vld.idx.msk [tilespmem:v4+s8+$0x0], $0xffff  }
0xb7: {  	s11 =	sadd.s32 $0x20, s11;
	v60 =	vadd.s32 $0xC350, v59;
	v46 =	vadd.s32 $0xEA60, v59;
	[tilespmem:v49+s4+$0x0] =	vst.idx.msk $0xffff, v45;
	v61 =	vadd.s32 v23, v36;
	v23 =	vld [tilespmem:$0x1FE10]  }
0xb8: {  	v59 =	vadd.s32 $0x7530, v59;
	v12 =	vmov s11;
	[tilespmem:v50+s4+$0x0] =	vst.idx.msk $0xffff, v35;
	v50 =	vadd.s32 v17, v36;
	v55 =	vld.idx.msk [tilespmem:v55+s8+$0x0], $0xffff  }
0xb9: {  	v12 =	vmul.u32 $0x1B, v12;
	[tilespmem:v51+s4+$0x0] =	vst.idx.msk $0xffff, v37;
	v51 =	vadd.s32 v16, v36;
	v36 =	vadd.s32 v21, v36;
	v21 =	vld [tilespmem:$0x1FE00]  }
0xba: {  	v53 =	vld.idx.msk [tilespmem:v53+s8+$0x0], $0xffff;
	v16 =	vmul.f32 v6, v43;
	v43 =	vmul.f32 v47, v43  }
0xbb: {  	v2 =	vld.idx.msk [tilespmem:v2+s8+$0x0], $0xffff;
	[tilespmem:v38+s4+$0x0] =	vst.idx.msk $0xffff, v45;
	v38 =	vbroadcast v12, $0x0;
	v12 =	vmul.f32 v63, v41  }
0xbc: {  	v0 =	vld.idx.msk [tilespmem:v0+s8+$0x0], $0xffff;
	[tilespmem:v48+s4+$0x0] =	vst.idx.msk $0xffff, v40;
	v47 =	vmul.f32 v47, v58;
	v6 =	vmul.f32 v6, v58  }
0xbd: {  	s16 =	sadd.s32 $0x10, s11;
	v57 =	vadd.f32 v57, v44;
	v48 =	vld.idx.msk [tilespmem:v59+s8+$0x0], $0xffff;
	v59 =	vmul.f32 v52, v41;
	[tilespmem:v34+s4+$0x0] =	vst.idx.msk $0xffff, v37  }
0xbe: {  	v37 =	vadd.s32 v32, v38;
	v49 =	vadd.s32 v19, v38;
	v41 =	vmov s16;
	v8 =	vld.idx.msk [tilespmem:v8+s8+$0x0], $0xffff;
	[tilespmem:v50+s4+$0x0] =	vst.idx.msk $0xffff, v45  }
0xbf: {  	v34 =	vld [tilespmem:$0x1FF90];
	v58 =	vadd.s32 v21, v38;
	v37 =	vand.u32 $0xFFFFFFF8, v37;
	v17 =	vmul.u32 $0x1B, v41;
	[tilespmem:v51+s4+$0x0] =	vst.idx.msk $0xffff, v40  }
0xc0: {  	v16 =	vsub.f32 v16, v47;
	v6 =	vadd.f32 v43, v6;
	v51 =	vadd.s32 v23, v38;
	v10 =	vld.idx.msk [tilespmem:v10+s8+$0x0], $0xffff  }
0xc1: {  	v40 =	vmul.f32 v63, v2;
	v2 =	vmul.f32 v52, v2;
	[tilespmem:v14+s4+$0x0] =	vst.idx.msk $0xffff, v39;
	v14 =	vld.idx.msk [tilespmem:v62+s8+$0x0], $0xffff  }
0xc2: {  	v16 =	vadd.f32 v16, v42;
	v6 =	vadd.f32 v6, v53;
	v62 =	vor.u32 v1, v37;
	v60 =	vld.idx.msk [tilespmem:v60+s8+$0x0], $0xffff  }
0xc3: {  	[tilespmem:v36+s4+$0x0] =	vst.idx.msk $0xffff, v45;
	v52 =	vadd.f32 v59, v40;
	v36 =	vbroadcast v17, $0x0;
	v2 =	vsub.f32 v12, v2  }
0xc4: {  	v50 =	vadd.s32 v34, v38;
	v41 =	vadd.f32 v6, v4;
	v47 =	vsub.f32 v16, v55  }
0xc5: {  	v63 =	vld.idx.msk [tilespmem:v46+s8+$0x0], $0xffff;
	[tilespmem:v61+s4+$0x0] =	vst.idx.msk $0xffff, v35;
	v44 =	vsub.f32 v6, v4;
	v43 =	vadd.f32 v16, v55  }
0xc6: {  	v17 =	vadd.s32 v32, v36;
	v0 =	vadd.f32 v2, v0;
	v2 =	vadd.s32 v21, v36;
	v21 =	vld [tilespmem:$0x1FE40]  }
0xc7: {  	v8 =	vadd.f32 v56, v8;
	[tilespmem:v54+s4+$0x0] =	vst.idx.msk $0xffff, v39;
	v4 =	vadd.s32 v19, v36  }
0xc8: {  	v12 =	vadd.f32 v52, v48;
	v59 =	vadd.s32 v34, v36;
	v61 =	vadd.s32 v24, v36  }
0xc9: {  	v42 =	vadd.f32 v57, v14;
	v46 =	vsub.f32 v57, v14;
	v14 =	vadd.s32 v23, v36  }
0xca: {  	v32 =	vadd.s32 v28, v38;
	v48 =	vadd.s32 v18, v36;
	[tilespmem:v62+s4+$0x0] =	vst.idx.msk $0xffff, v16  }
0xcb: {  	v37 =	vsub.f32 v8, v10;
	[tilespmem:v17+s4+$0x0] =	vst.idx.msk $0xffff, v0;
	v17 =	vadd.s32 v21, v36  }
0xcc: {  	v62 =	vadd.s32 v26, v38;
	v54 =	vsub.f32 v0, v60;
	[tilespmem:v4+s4+$0x0] =	vst.idx.msk $0xffff, v12  }
0xcd: {  	v35 =	vadd.f32 v12, v63;
	[tilespmem:v2+s4+$0x0] =	vst.idx.msk $0xffff, v8;
	v2 =	vadd.s32 v25, v36  }
0xce: {  	v39 =	vadd.f32 v8, v10;
	[tilespmem:v14+s4+$0x0] =	vst.idx.msk $0xffff, v54;
	v14 =	vadd.s32 v26, v36  }
0xcf: {  	v40 =	vsub.f32 v12, v63;
	v63 =	vadd.s32 v27, v36;
	[tilespmem:v59+s4+$0x0] =	vst.idx.msk $0xffff, v35  }
0xd0: {  	v49 =	vand.u32 $0xFFFFFFF8, v49;
	v10 =	vadd.s32 v27, v38;
	v8 =	vadd.s32 v28, v36;
	[tilespmem:v17+s4+$0x0] =	vst.idx.msk $0xffff, v37  }
0xd1: {  	v16 =	vand.u32 $0xFFFFFFF8, v50;
	v56 =	vadd.s32 v21, v38;
	v17 =	vadd.s32 v29, v36;
	[tilespmem:v61+s4+$0x0] =	vst.idx.msk $0xffff, v54  }
0xd2: {  	v50 =	vadd.s32 v20, v36;
	v52 =	vand.u32 $0xFFFFFFF8, v56;
	v61 =	vor.u32 v3, v49;
	[tilespmem:v2+s4+$0x0] =	vst.idx.msk $0xffff, v40  }
0xd3: {  	v56 =	vand.u32 $0xFFFFFFF8, v62;
	v62 =	vand.u32 $0xFFFFFFF8, v58;
	v2 =	vadd.s32 v30, v36;
	[tilespmem:v14+s4+$0x0] =	vst.idx.msk $0xffff, v37  }
0xd4: {  	v16 =	vor.u32 v11, v16;
	v58 =	vor.u32 v5, v62;
	[tilespmem:v63+s4+$0x0] =	vst.idx.msk $0xffff, v54  }
0xd5: {  	v45 =	vadd.f32 v0, v60;
	v14 =	vadd.s32 v31, v36;
	v63 =	vand.u32 $0xFFFFFFF8, v51;
	[tilespmem:v8+s4+$0x0] =	vst.idx.msk $0xffff, v40  }
0xd6: {  	s12 =	sadd.s32 $0x2, s12;
	v60 =	vadd.s32 v31, v38;
	v8 =	vor.u32 v9, v63;
	[tilespmem:v17+s4+$0x0] =	vst.idx.msk $0xffff, v39  }
0xd7: {  	p1 =	slt.u32 s12, $0x16;
	v34 =	vand.u32 $0xFFFFFFF8, v32;
	v0 =	vadd.s32 v29, v38;
	v4 =	vadd.s32 v24, v38;
	[tilespmem:v61+s4+$0x0] =	vst.idx.msk $0xffff, v6  }
.Ltmp4:
0xd8: {  	v10 =	vand.u32 $0xFFFFFFF8, v10;
	v12 =	vadd.s32 v25, v38;
	v53 =	vor.u32 v13, v52;
	[tilespmem:v2+s4+$0x0] =	vst.idx.msk $0xffff, v54;
	(pc) =	sbr.rel @p1 .LBB2_3-.Ltmp4, $4  }
0xd9: {  	v12 =	vand.u32 $0xFFFFFFF8, v12;
	v52 =	vor.u32 v5, v34;
	v56 =	vor.u32 v1, v56;
	[tilespmem:v58+s4+$0x0] =	vst.idx.msk $0xffff, v57  }
0xda: {  	v4 =	vand.u32 $0xFFFFFFF8, v4;
	v55 =	vor.u32 v22, v12;
	v49 =	vadd.s32 v33, v36;
	[tilespmem:v14+s4+$0x0] =	vst.idx.msk $0xffff, v35  }
0xdb: {  	v51 =	vadd.s32 v7, v36;
	v58 =	vand.u32 $0xFFFFFFF8, v0;
	v0 =	vadd.s32 v30, v38;
	[tilespmem:v8+s4+$0x0] =	vst.idx.msk $0xffff, v47  }
0xdc: {  	s15 =	sadd.s32 $0x20, s15;
	s14 =	sadd.s32 $0x20, s14;
	s13 =	sadd.s32 $0x20, s13;
	v54 =	vor.u32 v15, v4;
	v57 =	vor.u32 v3, v10;
	v59 =	vand.u32 $0xFFFFFFF8, v0;
	[tilespmem:v16+s4+$0x0] =	vst.idx.msk $0xffff, v41  }
0xdd: {  	_ =	sdelay $0x3  }
0xde: {  	[tilespmem:v53+s4+$0x0] =	vst.idx.msk $0xffff, v46  }
0xdf: {  	[tilespmem:v54+s4+$0x0] =	vst.idx.msk $0xffff, v47  }
0xe0: {  	v19 =	vld [tilespmem:$0x1FFB0];
	[tilespmem:v55+s4+$0x0] =	vst.idx.msk $0xffff, v44  }
0xe1: {  	[tilespmem:v56+s4+$0x0] =	vst.idx.msk $0xffff, v46  }
0xe2: {  	v18 =	vld [tilespmem:$0x1FFD0];
	[tilespmem:v57+s4+$0x0] =	vst.idx.msk $0xffff, v47  }
0xe3: {  	[tilespmem:v52+s4+$0x0] =	vst.idx.msk $0xffff, v44  }
0xe4: {  	v0 =	vor.u32 v9, v58;
	v4 =	vor.u32 v11, v59;
	v59 =	vld [tilespmem:$0x1FF50]  }
0xe5: {  	v6 =	vand.u32 $0xFFFFFFF8, v60;
	v2 =	vadd.s32 v19, v38  }
0xe6: {  	v8 =	vadd.s32 v33, v38;
	v6 =	vor.u32 v13, v6;
	v2 =	vand.u32 $0xFFFFFFF8, v2  }
0xe7: {  	v8 =	vand.u32 $0xFFFFFFF8, v8;
	v10 =	vadd.s32 v18, v38;
	v2 =	vor.u32 v15, v2  }
0xe8: {  	v12 =	vadd.s32 v7, v38;
	v8 =	vor.u32 v22, v8;
	v10 =	vand.u32 $0xFFFFFFF8, v10  }
0xe9: {  	v12 =	vand.u32 $0xFFFFFFF8, v12;
	[tilespmem:v0+s4+$0x0] =	vst.idx.msk $0xffff, v42;
	v14 =	vadd.s32 v59, v38;
	v0 =	vor.u32 v1, v10  }
0xea: {  	v33 =	vld [tilespmem:$0x1FFC0];
	[tilespmem:v4+s4+$0x0] =	vst.idx.msk $0xffff, v47;
	v4 =	vor.u32 v3, v12;
	v10 =	vand.u32 $0xFFFFFFF8, v14  }
0xeb: {  	v31 =	vld [tilespmem:$0x1FFA0];
	[tilespmem:v6+s4+$0x0] =	vst.idx.msk $0xffff, v41;
	v6 =	vor.u32 v5, v10  }
0xec: {  	v21 =	vld [tilespmem:$0x1FF70];
	[tilespmem:v2+s4+$0x0] =	vst.idx.msk $0xffff, v42  }
0xed: {  	v60 =	vld [tilespmem:$0x1FF60];
	[tilespmem:v8+s4+$0x0] =	vst.idx.msk $0xffff, v43  }
0xee: {  	v61 =	vld [tilespmem:$0x1FF40];
	[tilespmem:v0+s4+$0x0] =	vst.idx.msk $0xffff, v41  }
0xef: {  	v14 =	vadd.s32 v33, v38;
	v32 =	vld [tilespmem:$0x1FFF0];
	[tilespmem:v4+s4+$0x0] =	vst.idx.msk $0xffff, v46  }
0xf0: {  	v12 =	vand.u32 $0xFFFFFFF8, v14;
	v14 =	vadd.s32 v31, v38;
	v47 =	vld [tilespmem:$0x1FF20];
	[tilespmem:v6+s4+$0x0] =	vst.idx.msk $0xffff, v43  }
0xf1: {  	v10 =	vand.u32 $0xFFFFFFF8, v14;
	v14 =	vadd.s32 v21, v38;
	v2 =	vor.u32 v9, v12;
	v34 =	vld [tilespmem:$0x1FFE0]  }
0xf2: {  	v12 =	vand.u32 $0xFFFFFFF8, v14;
	v8 =	vor.u32 v11, v10;
	v14 =	vadd.s32 v60, v38  }
0xf3: {  	v0 =	vor.u32 v13, v12;
	v10 =	vand.u32 $0xFFFFFFF8, v14;
	v14 =	vadd.s32 v61, v38  }
0xf4: {  	v12 =	vand.u32 $0xFFFFFFF8, v14;
	v14 =	vadd.s32 v32, v38;
	v4 =	vor.u32 v15, v10  }
0xf5: {  	v10 =	vand.u32 $0xFFFFFFF8, v14;
	v14 =	vadd.s32 v47, v38;
	v6 =	vor.u32 v22, v12  }
0xf6: {  	[tilespmem:v2+s4+$0x0] =	vst.idx.msk $0xffff, v44;
	v12 =	vand.u32 $0xFFFFFFF8, v14;
	v14 =	vadd.s32 v34, v38;
	v2 =	vor.u32 v1, v10  }
0xf7: {  	[tilespmem:v8+s4+$0x0] =	vst.idx.msk $0xffff, v46;
	v10 =	vand.u32 $0xFFFFFFF8, v14;
	v8 =	vor.u32 v3, v12  }
0xf8: {  	[tilespmem:v0+s4+$0x0] =	vst.idx.msk $0xffff, v43;
	v0 =	vor.u32 v5, v10  }
0xf9: {  	[tilespmem:v4+s4+$0x0] =	vst.idx.msk $0xffff, v44  }
0xfa: {  	[tilespmem:v6+s4+$0x0] =	vst.idx.msk $0xffff, v42  }
0xfb: {  	[tilespmem:v2+s4+$0x0] =	vst.idx.msk $0xffff, v43  }
0xfc: {  	[tilespmem:v8+s4+$0x0] =	vst.idx.msk $0xffff, v41  }
0xfd: {  	[tilespmem:v0+s4+$0x0] =	vst.idx.msk $0xffff, v42;
	v0 =	vadd.s32 v59, v36  }
0xfe: {  	[tilespmem:v48+s4+$0x0] =	vst.idx.msk $0xffff, v39;
	v2 =	vadd.s32 v33, v36  }
0xff: {  	[tilespmem:v49+s4+$0x0] =	vst.idx.msk $0xffff, v45;
	v4 =	vadd.s32 v31, v36  }
0x100: {  	[tilespmem:v50+s4+$0x0] =	vst.idx.msk $0xffff, v35;
	v6 =	vadd.s32 v21, v36  }
0x101: {  	[tilespmem:v51+s4+$0x0] =	vst.idx.msk $0xffff, v37;
	v8 =	vadd.s32 v60, v36  }
0x102: {  	v10 =	vadd.s32 v61, v36;
	[tilespmem:v0+s4+$0x0] =	vst.idx.msk $0xffff, v45  }
0x103: {  	v0 =	vadd.s32 v32, v36;
	[tilespmem:v2+s4+$0x0] =	vst.idx.msk $0xffff, v40  }
0x104: {  	v2 =	vadd.s32 v47, v36;
	[tilespmem:v4+s4+$0x0] =	vst.idx.msk $0xffff, v37  }
0x105: {  	v4 =	vadd.s32 v34, v36;
	[tilespmem:v6+s4+$0x0] =	vst.idx.msk $0xffff, v45  }
0x106: {  	[tilespmem:v8+s4+$0x0] =	vst.idx.msk $0xffff, v40  }
0x107: {  	[tilespmem:v10+s4+$0x0] =	vst.idx.msk $0xffff, v39  }
0x108: {  	[tilespmem:v0+s4+$0x0] =	vst.idx.msk $0xffff, v45  }
0x109: {  	[tilespmem:v2+s4+$0x0] =	vst.idx.msk $0xffff, v35  }
0x10a: {  	[tilespmem:v4+s4+$0x0] =	vst.idx.msk $0xffff, v39  }
0x10b: {  	v0 =	vld [tilespmem:$0x13A00];
	_ =	sdelay $0x4  }
0x10c: {  	v2 =	vadd.s32 $0x2710, v0;
	_ =	sdelay $0x1  }
0x10d: {  	v10 =	vld [tilespmem:$0x13D20]  }
0x10e: {  	v14 =	vld [tilespmem:$0x14040]  }
0x10f: {  	v6 =	vadd.s32 $0x4E20, v0;
	v4 =	vld.idx.msk [tilespmem:v0+s8+$0x0], $0xffff  }
0x110: {  	v8 =	vadd.s32 $0x7530, v0;
	v2 =	vld.idx.msk [tilespmem:v2+s8+$0x0], $0xffff  }
0x111: {  	v29 =	vld [tilespmem:$0x1FF80];
	v12 =	vadd.s32 $0x9C40, v0  }
0x112: {  	v16 =	vadd.s32 $0xC350, v0  }
0x113: {  	v37 =	vld [tilespmem:$0x14360];
	v17 =	vadd.s32 $0xEA60, v0  }
0x114: {  	v0 =	vadd.s32 $0x11170, v0;
	v6 =	vld.idx.msk [tilespmem:v6+s8+$0x0], $0xffff  }
0x115: {  	v8 =	vld.idx.msk [tilespmem:v8+s8+$0x0], $0xffff;
	v62 =	vmul.f32 v10, v4;
	v63 =	vmul.f32 v14, v2  }
0x116: {  	v11 =	vadd.s32 $0x2880, v29;
	v12 =	vld.idx.msk [tilespmem:v12+s8+$0x0], $0xffff;
	v4 =	vmul.f32 v14, v4;
	v2 =	vmul.f32 v10, v2  }
0x117: {  	v13 =	vadd.s32 $0x2881, v29;
	v10 =	vld.idx.msk [tilespmem:v16+s8+$0x0], $0xffff;
	v14 =	vsub.f32 v62, v63  }
0x118: {  	v15 =	vadd.s32 $0x2882, v29;
	v16 =	vld.idx.msk [tilespmem:v17+s8+$0x0], $0xffff;
	v2 =	vadd.f32 v4, v2  }
0x119: {  	v0 =	vld.idx.msk [tilespmem:v0+s8+$0x0], $0xffff;
	v17 =	vadd.s32 $0x2883, v29;
	v4 =	vadd.f32 v14, v6  }
0x11a: {  	v20 =	vadd.s32 $0x2884, v29;
	v2 =	vadd.f32 v2, v8  }
0x11b: {  	v23 =	vadd.s32 $0x2885, v29;
	v6 =	vadd.f32 v37, v12;
	[tilespmem:v11+s4+$0x0] =	vst.idx.msk $0xffff, v4  }
0x11c: {  	v24 =	vadd.s32 $0x2886, v29;
	v8 =	vsub.f32 v4, v10;
	[tilespmem:v13+s4+$0x0] =	vst.idx.msk $0xffff, v2  }
0x11d: {  	v25 =	vadd.s32 $0x2887, v29;
	v12 =	vadd.f32 v2, v16;
	[tilespmem:v15+s4+$0x0] =	vst.idx.msk $0xffff, v6  }
0x11e: {  	v26 =	vadd.s32 $0x2888, v29;
	v14 =	vsub.f32 v6, v0;
	[tilespmem:v17+s4+$0x0] =	vst.idx.msk $0xffff, v8  }
0x11f: {  	v27 =	vadd.s32 $0x2889, v29;
	[tilespmem:v20+s4+$0x0] =	vst.idx.msk $0xffff, v12  }
0x120: {  	v2 =	vsub.f32 v2, v16;
	v16 =	vadd.s32 $0x288A, v29;
	[tilespmem:v23+s4+$0x0] =	vst.idx.msk $0xffff, v14  }
0x121: {  	v28 =	vadd.s32 $0x288B, v29;
	[tilespmem:v24+s4+$0x0] =	vst.idx.msk $0xffff, v8  }
0x122: {  	v30 =	vadd.s32 $0x288C, v29;
	[tilespmem:v25+s4+$0x0] =	vst.idx.msk $0xffff, v2  }
0x123: {  	v35 =	vadd.s32 $0x288D, v29;
	[tilespmem:v26+s4+$0x0] =	vst.idx.msk $0xffff, v14  }
0x124: {  	v0 =	vadd.f32 v6, v0;
	v6 =	vadd.s32 $0x288E, v29;
	[tilespmem:v27+s4+$0x0] =	vst.idx.msk $0xffff, v8  }
0x125: {  	v36 =	vadd.s32 $0x288F, v29;
	[tilespmem:v16+s4+$0x0] =	vst.idx.msk $0xffff, v2  }
0x126: {  	v37 =	vadd.s32 $0x2890, v29;
	[tilespmem:v28+s4+$0x0] =	vst.idx.msk $0xffff, v0  }
0x127: {  	[tilespmem:v30+s4+$0x0] =	vst.idx.msk $0xffff, v8;
	v8 =	vadd.s32 $0x2891, v29  }
0x128: {  	v4 =	vadd.f32 v4, v10;
	v10 =	vadd.s32 $0x2892, v29;
	[tilespmem:v35+s4+$0x0] =	vst.idx.msk $0xffff, v12  }
0x129: {  	v38 =	vadd.s32 $0x2893, v29;
	[tilespmem:v6+s4+$0x0] =	vst.idx.msk $0xffff, v0  }
0x12a: {  	v39 =	vadd.s32 $0x2894, v29;
	[tilespmem:v36+s4+$0x0] =	vst.idx.msk $0xffff, v4  }
0x12b: {  	v40 =	vadd.s32 $0x2895, v29;
	[tilespmem:v37+s4+$0x0] =	vst.idx.msk $0xffff, v12  }
0x12c: {  	v42 =	vadd.s32 $0x2896, v29;
	[tilespmem:v8+s4+$0x0] =	vst.idx.msk $0xffff, v14  }
0x12d: {  	v43 =	vadd.s32 $0x2897, v29;
	[tilespmem:v10+s4+$0x0] =	vst.idx.msk $0xffff, v4  }
0x12e: {  	v44 =	vadd.s32 $0x2898, v29;
	[tilespmem:v38+s4+$0x0] =	vst.idx.msk $0xffff, v2  }
0x12f: {  	[tilespmem:v39+s4+$0x0] =	vst.idx.msk $0xffff, v14;
	v14 =	vadd.s32 $0x2899, v29  }
0x130: {  	v41 =	vadd.s32 $0x289A, v29;
	[tilespmem:v40+s4+$0x0] =	vst.idx.msk $0xffff, v4  }
0x131: {  	s11 =	sadd.s32 $0x2, s26;
	[tilespmem:v42+s4+$0x0] =	vst.idx.msk $0xffff, v2  }
0x132: {  	p1 =	sgt.u32 s11, s10;
	[tilespmem:v43+s4+$0x0] =	vst.idx.msk $0xffff, v0  }
0x133: {  	s12 =	smul.u32 $0x546, s29;
	s11 =	sshll.u32 @!p1 s11, $0x5;
	[tilespmem:v44+s4+$0x0] =	vst.idx.msk $0xffff, v4  }
0x134: {  	s11 =	sor.u32 @!p1 s9, s11;
	[tilespmem:v14+s4+$0x0] =	vst.idx.msk $0xffff, v12  }
0x135: {  	s12 =	sadd.s32 s6, s12;
	s11 =	smul.u32 @!p1 $0x32, s11;
	[tilespmem:v41+s4+$0x0] =	vst.idx.msk $0xffff, v0  }
0x136: {  	[hbm4b:s12+s8] =	stream.linear.scatter [tilespmem:s4], [sflag:$0x3], $0x2A30, $0x38;
	[tilespmem:$0x19960] =	vst v63  }
0x137: {  	s13 =	simm.s32 @!p1 $0x0;
	s14 =	simm.s32 @!p1 $0x13880;
	s12 =	sadd.s32 @!p1 s5, s11  }
0x138: {  	[tilespmem:s14], [sflag:$0x1] =	stream.linear.gather @!p1 [hbm4b:s12+s13], $0x190, $0x38;
	[tilespmem:$0x19960] =	vst v63  }
0x139: {  	s12 =	sadd.s32 @!p1 s1, s11;
	s14 =	simm.s32 @!p1 $0x13BA0  }
0x13a: {  	[tilespmem:s14], [sflag:$0x1] =	stream.linear.gather @!p1 [hbm4b:s12+s13], $0x190, $0x38;
	[tilespmem:$0x19960] =	vst v63  }
0x13b: {  	s12 =	sadd.s32 @!p1 s2, s11;
	s14 =	simm.s32 @!p1 $0x13EC0  }
0x13c: {  	[tilespmem:s14], [sflag:$0x1] =	stream.linear.gather @!p1 [hbm4b:s12+s13], $0x190, $0x38;
	[tilespmem:$0x19960] =	vst v63  }
0x13d: {  	s11 =	sadd.s32 @!p1 s3, s11;
	s12 =	simm.s32 @!p1 $0x141E0  }
0x13e: {  	[tilespmem:s12], [sflag:$0x1] =	stream.linear.gather @!p1 [hbm4b:s11+s13], $0x190, $0x38;
	[tilespmem:$0x19960] =	vst v63  }
0x13f: {  	p1 =	sge.u32 s26, s10  }
.Ltmp5:
0x140: {  	_ = 	snop;
	(pc) =	sbr.rel @p1 .LBB2_8-.Ltmp5, $2  }
0x141: {  	_ =	sdelay $0x2  }
0x142: {  	v7 =	vmov v18;
	v9 =	vmov v19;
	v22 =	vld [tilespmem:$0x1FF90]  }
0x143: {  	[tilespmem:$0x1FC50] =	vst v44  }
0x144: {  	[tilespmem:$0x1FC60] =	vst v43  }
0x145: {  	[tilespmem:$0x1FC70] =	vst v42  }
0x146: {  	[tilespmem:$0x1FC80] =	vst v41  }
0x147: {  	[tilespmem:$0x1FC90] =	vst v14  }
0x148: {  	[tilespmem:$0x1FCA0] =	vst v40  }
0x149: {  	[tilespmem:$0x1FCB0] =	vst v39  }
0x14a: {  	[tilespmem:$0x1FCC0] =	vst v38  }
0x14b: {  	[tilespmem:$0x1FCD0] =	vst v10  }
0x14c: {  	[tilespmem:$0x1FCE0] =	vst v8  }
0x14d: {  	[tilespmem:$0x1FCF0] =	vst v37  }
0x14e: {  	[tilespmem:$0x1FD00] =	vst v36  }
0x14f: {  	[tilespmem:$0x1FD10] =	vst v6  }
0x150: {  	[tilespmem:$0x1FD20] =	vst v35  }
0x151: {  	[tilespmem:$0x1FD30] =	vst v30  }
0x152: {  	[tilespmem:$0x1FD40] =	vst v28  }
0x153: {  	[tilespmem:$0x1FD50] =	vst v16  }
0x154: {  	[tilespmem:$0x1FD60] =	vst v27  }
0x155: {  	[tilespmem:$0x1FD70] =	vst v26  }
0x156: {  	[tilespmem:$0x1FD80] =	vst v25  }
0x157: {  	[tilespmem:$0x1FD90] =	vst v24  }
0x158: {  	[tilespmem:$0x1FDA0] =	vst v23  }
0x159: {  	[tilespmem:$0x1FDB0] =	vst v20  }
0x15a: {  	[tilespmem:$0x1FDC0] =	vst v17  }
0x15b: {  	[tilespmem:$0x1FDD0] =	vst v15  }
0x15c: {  	[tilespmem:$0x1FDE0] =	vst v13  }
0x15d: {  	[tilespmem:$0x1FDF0] =	vst v11  }
0x15e: {  	_ =	swait.ge [sflag:s7], $0x190  }
0x15f: {  	[sflag:s7] =	ssyncset.done $0x0  }
0x160: {  	[sflag:s7] =	ssyncadd.s32 $0xFFFFFE70  }
0x161: {  	_ =	swait.ge [sflag:s7], $0x190  }
0x162: {  	[sflag:s7] =	ssyncset.done $0x0  }
0x163: {  	[sflag:s7] =	ssyncadd.s32 $0xFFFFFE70  }
0x164: {  	_ =	swait.ge [sflag:s7], $0x190  }
0x165: {  	[sflag:s7] =	ssyncset.done $0x0  }
0x166: {  	[sflag:s7] =	ssyncadd.s32 $0xFFFFFE70  }
0x167: {  	_ =	swait.ge [sflag:s7], $0x190  }
0x168: {  	[sflag:s7] =	ssyncset.done $0x0  }
0x169: {  	s11 =	simm.s32 @!p0 $0x4;
	[sflag:s7] =	ssyncadd.s32 $0xFFFFFE70  }
0x16a: {  	_ =	swait.ge @!p0 [sflag:s11], $0x2A30  }
0x16b: {  	[sflag:s11] =	ssyncset.done @!p0 $0x0  }
0x16c: {  	s15 =	simm.s32 $0x13A20;
	[sflag:s11] =	ssyncadd.s32 @!p0 $0xFFFFD5D0  }
0x16d: {  	v0 =	vld [tilespmem:s15+$0xFFFFFFF0];
	_ =	sdelay $0x1  }
0x16e: {  	v11 =	vld [tilespmem:$0x1FF30]  }
0x16f: {  	v13 =	vld [tilespmem:$0x1FE00]  }
0x170: {  	s12 =	simm.s32 $0x14380;
	v2 =	vld [tilespmem:s15+$0x0]  }
0x171: {  	v4 =	vld [tilespmem:s12+$0x0];
	v14 =	vadd.s32 $0x2710, v0  }
0x172: {  	s16 =	simm.s32 $0x14060;
	v6 =	vld [tilespmem:s12+$0xFFFFFFF0]  }
0x173: {  	s29 =	simm.s32 $0x13D40;
	v16 =	vld [tilespmem:s16+$0xFFFFFFF0]  }
0x174: {  	v35 =	vld [tilespmem:s29+$0xFFFFFFF0]  }
0x175: {  	v54 =	vadd.s32 $0x7530, v0;
	v53 =	vld.idx.msk [tilespmem:v0+s8+$0x0], $0xffff  }
0x176: {  	s11 =	simm.s32 $0x0;
	v10 =	vadd.s32 $0x4E20, v0;
	v14 =	vld.idx.msk [tilespmem:v14+s8+$0x0], $0xffff  }
0x177: {  	v8 =	vld [tilespmem:s16+$0x0];
	v62 =	vmov s11;
	v17 =	vadd.s32 $0x9C40, v0  }
0x178: {  	v12 =	vld [tilespmem:s29+$0x0];
	v42 =	vmul.u32 $0x1B, v62;
	v55 =	vadd.s32 $0x2710, v2  }
0x179: {  	v58 =	vadd.s32 $0x9C40, v2;
	v57 =	vld.idx.msk [tilespmem:v2+s8+$0x0], $0xffff  }
0x17a: {  	v36 =	vbroadcast v42, $0x0;
	v56 =	vadd.s32 $0x7530, v2;
	v48 =	vld.idx.msk [tilespmem:v54+s8+$0x0], $0xffff;
	v37 =	vmul.f32 v16, v53  }
0x17b: {  	s30 =	simm.s32 $0x10;
	v40 =	vadd.s32 $0x11170, v0;
	v10 =	vld.idx.msk [tilespmem:v10+s8+$0x0], $0xffff;
	v16 =	vmul.f32 v16, v14;
	v14 =	vmul.f32 v35, v14  }
0x17c: {  	v52 =	vmov s30;
	v34 =	vadd.s32 $0xEA60, v0;
	v0 =	vadd.s32 $0xC350, v0;
	v17 =	vld.idx.msk [tilespmem:v17+s8+$0x0], $0xffff  }
0x17d: {  	v63 =	vadd.s32 $0x4E20, v2;
	v50 =	vadd.s32 v29, v36;
	v38 =	vld.idx.msk [tilespmem:v55+s8+$0x0], $0xffff;
	v14 =	vadd.f32 v37, v14  }
0x17e: {  	v45 =	vadd.s32 $0xC350, v2;
	v41 =	vld.idx.msk [tilespmem:v58+s8+$0x0], $0xffff;
	v49 =	vmul.f32 v35, v53;
	v35 =	vand.u32 $0xFFFFFFF8, v50  }
0x17f: {  	v54 =	vld.idx.msk [tilespmem:v56+s8+$0x0], $0xffff;
	v42 =	vmul.f32 v12, v57;
	v14 =	vadd.f32 v14, v48;
	v48 =	vor.u32 v1, v35  }
0x180: {  	v58 =	vld.idx.msk [tilespmem:v40+s8+$0x0], $0xffff;
	v39 =	vmul.f32 v8, v57;
	v57 =	vmul.u32 $0x1B, v52;
	v16 =	vsub.f32 v49, v16  }
0x181: {  	v46 =	vadd.s32 $0x11170, v2;
	v51 =	vadd.s32 v11, v36;
	v2 =	vadd.s32 $0xEA60, v2;
	v0 =	vld.idx.msk [tilespmem:v0+s8+$0x0], $0xffff  }
0x182: {  	v12 =	vmul.f32 v12, v38;
	v10 =	vadd.f32 v16, v10;
	v16 =	vld.idx.msk [tilespmem:v63+s8+$0x0], $0xffff;
	v63 =	vbroadcast v57, $0x0  }
0x183: {  	v44 =	vld.idx.msk [tilespmem:v34+s8+$0x0], $0xffff;
	v6 =	vadd.f32 v6, v17;
	v8 =	vmul.f32 v8, v38;
	v4 =	vadd.f32 v4, v41  }
0x184: {  	v15 =	vld [tilespmem:$0x1FE10];
	v12 =	vadd.f32 v39, v12;
	v49 =	vadd.s32 v29, v63;
	[tilespmem:v48+s0+$0x0] =	vst.idx.msk $0xffff, v10  }
0x185: {  	v8 =	vsub.f32 v42, v8;
	v40 =	vadd.f32 v6, v58;
	v56 =	vadd.s32 v11, v63;
	v11 =	vld [tilespmem:$0x1FE40]  }
0x186: {  	v19 =	vmovc v47;
	v47 =	vsub.f32 v10, v0;
	v41 =	vadd.f32 v10, v0;
	v0 =	vadd.s32 v13, v63  }
0x187: {  	v52 =	vld.idx.msk [tilespmem:v45+s8+$0x0], $0xffff;
	v12 =	vadd.f32 v12, v54;
	v8 =	vadd.f32 v8, v16  }
0x188: {  	v2 =	vld.idx.msk [tilespmem:v2+s8+$0x0], $0xffff;
	v39 =	vadd.f32 v14, v44;
	v42 =	vsub.f32 v14, v44  }
0x189: {  	v37 =	vld.idx.msk [tilespmem:v46+s8+$0x0], $0xffff;
	v44 =	vsub.f32 v6, v58;
	v16 =	vadd.s32 v15, v63;
	[tilespmem:v49+s0+$0x0] =	vst.idx.msk $0xffff, v8  }
0x18a: {  	v57 =	vadd.s32 v11, v36;
	v58 =	vadd.s32 v11, v63;
	v11 =	vld [tilespmem:$0x1FE60];
	[tilespmem:v56+s0+$0x0] =	vst.idx.msk $0xffff, v12  }
0x18b: {  	[tilespmem:v0+s0+$0x0] =	vst.idx.msk $0xffff, v4  }
0x18c: {  	v50 =	vadd.s32 v13, v36;
	v49 =	vsub.f32 v8, v52;
	v13 =	vld [tilespmem:$0x1FE80]  }
0x18d: {  	v10 =	vadd.s32 v22, v63  }
0x18e: {  	v62 =	vadd.f32 v12, v2;
	[tilespmem:v16+s0+$0x0] =	vst.idx.msk $0xffff, v49  }
0x18f: {  	v38 =	vsub.f32 v12, v2;
	v32 =	vadd.s32 v11, v63;
	v2 =	vadd.s32 v11, v36;
	v11 =	vld [tilespmem:$0x1FEA0];
	_ =	sdelay $0x1  }
0x190: {  	v35 =	vsub.f32 v4, v37;
	v0 =	vadd.s32 v13, v63  }
0x191: {  	[tilespmem:v10+s0+$0x0] =	vst.idx.msk $0xffff, v62  }
0x192: {  	v16 =	vadd.s32 v13, v36;
	v13 =	vld [tilespmem:$0x1FEB0];
	[tilespmem:v58+s0+$0x0] =	vst.idx.msk $0xffff, v35  }
0x193: {  	v27 =	vld [tilespmem:$0x1FEC0];
	v12 =	vadd.s32 v11, v63  }
0x194: {  	[tilespmem:v32+s0+$0x0] =	vst.idx.msk $0xffff, v49  }
0x195: {  	v28 =	vld [tilespmem:$0x1FED0];
	[tilespmem:v0+s0+$0x0] =	vst.idx.msk $0xffff, v38  }
0x196: {  	v29 =	vld [tilespmem:$0x1FEE0]  }
0x197: {  	v10 =	vadd.s32 v13, v63  }
0x198: {  	v34 =	vadd.s32 v27, v63;
	[tilespmem:v12+s0+$0x0] =	vst.idx.msk $0xffff, v35  }
0x199: {  	v30 =	vld [tilespmem:$0x1FEF0]  }
0x19a: {  	v37 =	vadd.f32 v4, v37;
	v4 =	vadd.s32 v28, v63  }
0x19b: {  	v0 =	vadd.s32 v29, v63  }
0x19c: {  	v48 =	vand.u32 $0xFFFFFFF8, v51;
	[tilespmem:v10+s0+$0x0] =	vst.idx.msk $0xffff, v49  }
0x19d: {  	v58 =	vor.u32 v3, v48;
	[tilespmem:v34+s0+$0x0] =	vst.idx.msk $0xffff, v38  }
0x19e: {  	v32 =	vld [tilespmem:$0x1FF00];
	v12 =	vadd.s32 v30, v63  }
0x19f: {  	v45 =	vadd.s32 v9, v63;
	v51 =	vand.u32 $0xFFFFFFF8, v50;
	v9 =	vld [tilespmem:$0x1FE20];
	[tilespmem:v4+s0+$0x0] =	vst.idx.msk $0xffff, v37  }
0x1a0: {  	v54 =	vadd.s32 v11, v36;
	v10 =	vor.u32 v5, v51;
	v11 =	vld [tilespmem:$0x1FE30];
	[tilespmem:v0+s0+$0x0] =	vst.idx.msk $0xffff, v49  }
0x1a1: {  	v48 =	vadd.s32 v7, v63;
	v7 =	vld [tilespmem:$0x1FF10]  }
0x1a2: {  	v53 =	vadd.s32 v22, v36;
	v56 =	vadd.s32 v13, v36;
	v13 =	vld [tilespmem:$0x1FE50];
	[tilespmem:v58+s0+$0x0] =	vst.idx.msk $0xffff, v14  }
0x1a3: {  	v53 =	vand.u32 $0xFFFFFFF8, v53;
	v17 =	vadd.s32 v15, v36;
	[tilespmem:v12+s0+$0x0] =	vst.idx.msk $0xffff, v62  }
0x1a4: {  	v17 =	vand.u32 $0xFFFFFFF8, v17;
	v43 =	vadd.f32 v8, v52;
	v55 =	vand.u32 $0xFFFFFFF8, v57;
	v15 =	vld [tilespmem:$0x1FE70]  }
0x1a5: {  	v2 =	vand.u32 $0xFFFFFFF8, v2;
	v57 =	vadd.s32 v27, v36;
	v17 =	vor.u32 v9, v17;
	[tilespmem:v10+s0+$0x0] =	vst.idx.msk $0xffff, v6  }
0x1a6: {  	v4 =	vand.u32 $0xFFFFFFF8, v16;
	v0 =	vand.u32 $0xFFFFFFF8, v57;
	v16 =	vor.u32 v11, v53;
	v34 =	vld [tilespmem:$0x1FE90]  }
0x1a7: {  	v8 =	vand.u32 $0xFFFFFFF8, v54;
	v50 =	vor.u32 v5, v0;
	v0 =	vand.u32 $0xFFFFFFF8, v56  }
0x1a8: {  	v46 =	vadd.s32 v32, v63;
	v58 =	vadd.s32 v30, v36;
	v53 =	vor.u32 v3, v0  }
0x1a9: {  	v49 =	vadd.s32 v7, v63;
	v52 =	vor.u32 v15, v2;
	v2 =	vadd.s32 v28, v36  }
0x1aa: {  	s28 =	sor.u32 s19, s28;
	s13 =	simm.s32 $0x14080;
	v51 =	vor.u32 v13, v55;
	[tilespmem:v17+s0+$0x0] =	vst.idx.msk $0xffff, v47;
	v56 =	vand.u32 $0xFFFFFFF8, v2;
	v2 =	vadd.s32 v29, v36  }
0x1ab: {  	s14 =	simm.s32 $0x143A0;
	s12 =	simm.s32 $0x0;
	s15 =	simm.s32 $0x13A40;
	v55 =	vor.u32 v1, v8;
	[tilespmem:v16+s0+$0x0] =	vst.idx.msk $0xffff, v39;
	v54 =	vor.u32 v34, v4;
	v57 =	vand.u32 $0xFFFFFFF8, v2  }
.LBB2_6:
0x1ac: {  	v23 =	vld [tilespmem:$0x1FFB0];
	_ =	sdelay $0x1  }
0x1ad: {  	v24 =	vld [tilespmem:$0x1FFD0]  }
0x1ae: {  	[tilespmem:v51+s0+$0x0] =	vst.idx.msk $0xffff, v44;
	v2 =	vadd.s32 v32, v36  }
0x1af: {  	v4 =	vor.u32 v9, v56;
	v6 =	vor.u32 v11, v57;
	[tilespmem:v52+s0+$0x0] =	vst.idx.msk $0xffff, v47  }
0x1b0: {  	v8 =	vand.u32 $0xFFFFFFF8, v58;
	v12 =	vadd.s32 v7, v36;
	[tilespmem:v54+s0+$0x0] =	vst.idx.msk $0xffff, v42;
	v0 =	vadd.s32 v23, v36  }
0x1b1: {  	v14 =	vadd.s32 v59, v36;
	v8 =	vor.u32 v13, v8;
	[tilespmem:v55+s0+$0x0] =	vst.idx.msk $0xffff, v44;
	v0 =	vand.u32 $0xFFFFFFF8, v0  }
0x1b2: {  	v2 =	vand.u32 $0xFFFFFFF8, v2;
	[tilespmem:v53+s0+$0x0] =	vst.idx.msk $0xffff, v47;
	v10 =	vadd.s32 v24, v36;
	v0 =	vor.u32 v15, v0  }
0x1b3: {  	v16 =	vadd.s32 v33, v36;
	v2 =	vor.u32 v34, v2;
	[tilespmem:v50+s0+$0x0] =	vst.idx.msk $0xffff, v42;
	v10 =	vand.u32 $0xFFFFFFF8, v10  }
0x1b4: {  	v20 =	vld [tilespmem:$0x1FFF0];
	v12 =	vand.u32 $0xFFFFFFF8, v12;
	v14 =	vand.u32 $0xFFFFFFF8, v14;
	[tilespmem:v4+s0+$0x0] =	vst.idx.msk $0xffff, v40;
	v4 =	vor.u32 v1, v10  }
0x1b5: {  	v10 =	vand.u32 $0xFFFFFFF8, v16;
	v16 =	vadd.s32 v31, v36;
	[tilespmem:v6+s0+$0x0] =	vst.idx.msk $0xffff, v47;
	v6 =	vor.u32 v3, v12  }
0x1b6: {  	v18 =	vld [tilespmem:$0x1FFE0];
	v12 =	vand.u32 $0xFFFFFFF8, v16;
	v16 =	vadd.s32 v21, v36;
	[tilespmem:v8+s0+$0x0] =	vst.idx.msk $0xffff, v39;
	v8 =	vor.u32 v5, v14  }
0x1b7: {  	v14 =	vand.u32 $0xFFFFFFF8, v16;
	v16 =	vadd.s32 v60, v36;
	[tilespmem:v0+s0+$0x0] =	vst.idx.msk $0xffff, v40;
	v0 =	vor.u32 v9, v10  }
0x1b8: {  	v10 =	vand.u32 $0xFFFFFFF8, v16;
	v16 =	vadd.s32 v61, v36;
	[tilespmem:v2+s0+$0x0] =	vst.idx.msk $0xffff, v41;
	v2 =	vor.u32 v11, v12  }
0x1b9: {  	v12 =	vand.u32 $0xFFFFFFF8, v16;
	v16 =	vadd.s32 v20, v36;
	[tilespmem:v4+s0+$0x0] =	vst.idx.msk $0xffff, v39;
	v4 =	vor.u32 v13, v14  }
0x1ba: {  	v14 =	vand.u32 $0xFFFFFFF8, v16;
	v16 =	vadd.s32 v19, v36;
	v17 =	vld [tilespmem:s15+$0xFFFFFFF0];
	[tilespmem:v6+s0+$0x0] =	vst.idx.msk $0xffff, v44;
	v6 =	vor.u32 v15, v10  }
0x1bb: {  	s29 =	sadd.s32 $0x20, s29;
	v10 =	vand.u32 $0xFFFFFFF8, v16;
	v16 =	vadd.s32 v18, v36;
	v36 =	vld [tilespmem:s15+$0x0];
	[tilespmem:v8+s0+$0x0] =	vst.idx.msk $0xffff, v41;
	v8 =	vor.u32 v34, v12  }
0x1bc: {  	v51 =	vld [tilespmem:s29+$0x0];
	[tilespmem:v0+s0+$0x0] =	vst.idx.msk $0xffff, v42;
	v0 =	vor.u32 v1, v14  }
0x1bd: {  	v14 =	vld [tilespmem:s14+$0xFFFFFFF0];
	[tilespmem:v2+s0+$0x0] =	vst.idx.msk $0xffff, v44;
	v2 =	vor.u32 v3, v10  }
0x1be: {  	v12 =	vand.u32 $0xFFFFFFF8, v16;
	v16 =	vld [tilespmem:s14+$0x0];
	[tilespmem:v4+s0+$0x0] =	vst.idx.msk $0xffff, v41  }
0x1bf: {  	v10 =	vld [tilespmem:s13+$0x0];
	v4 =	vor.u32 v5, v12;
	[tilespmem:v6+s0+$0x0] =	vst.idx.msk $0xffff, v42  }
0x1c0: {  	v12 =	vadd.s32 v18, v63;
	v42 =	vld [tilespmem:s13+$0xFFFFFFF0];
	[tilespmem:v8+s0+$0x0] =	vst.idx.msk $0xffff, v40  }
0x1c1: {  	v44 =	vadd.s32 $0x2710, v17;
	v47 =	vadd.s32 $0x4E20, v17;
	v50 =	vadd.s32 $0x11170, v17;
	v55 =	vld [tilespmem:s29+$0xFFFFFFF0];
	[tilespmem:v0+s0+$0x0] =	vst.idx.msk $0xffff, v41  }
0x1c2: {  	v6 =	vadd.s32 $0x9C40, v17;
	v52 =	vadd.s32 $0x2710, v36;
	v53 =	vadd.s32 $0x4E20, v36;
	v0 =	vld.idx.msk [tilespmem:v17+s8+$0x0], $0xffff;
	[tilespmem:v2+s0+$0x0] =	vst.idx.msk $0xffff, v39  }
0x1c3: {  	v54 =	vadd.s32 $0xEA60, v17;
	v56 =	vadd.s32 $0x9C40, v36;
	v57 =	vadd.s32 $0x11170, v36;
	v2 =	vld.idx.msk [tilespmem:v36+s8+$0x0], $0xffff;
	[tilespmem:v45+s0+$0x0] =	vst.idx.msk $0xffff, v37  }
0x1c4: {  	v8 =	vadd.s32 $0xC350, v17;
	v17 =	vadd.s32 $0x7530, v17;
	[tilespmem:v4+s0+$0x0] =	vst.idx.msk $0xffff, v40;
	v4 =	vadd.s32 v59, v63  }
0x1c5: {  	s11 =	sadd.s32 $0x20, s11;
	v22 =	vld [tilespmem:$0x1FF80];
	v58 =	vadd.s32 $0x7530, v36;
	v41 =	vadd.s32 $0xC350, v36;
	v45 =	vadd.s32 v33, v63;
	[tilespmem:v46+s0+$0x0] =	vst.idx.msk $0xffff, v43  }
0x1c6: {  	v39 =	vadd.s32 $0xEA60, v36;
	v36 =	vmov s11;
	v46 =	vadd.s32 v31, v63;
	v44 =	vld.idx.msk [tilespmem:v44+s8+$0x0], $0xffff;
	[tilespmem:v48+s0+$0x0] =	vst.idx.msk $0xffff, v62  }
0x1c7: {  	v18 =	vmov v21;
	v36 =	vmul.u32 $0x1B, v36;
	v40 =	vld.idx.msk [tilespmem:v47+s8+$0x0], $0xffff;
	v48 =	vadd.s32 v21, v63;
	[tilespmem:v49+s0+$0x0] =	vst.idx.msk $0xffff, v35  }
0x1c8: {  	v47 =	vadd.s32 v19, v63;
	v21 =	vmovc v31;
	v31 =	vmov v33;
	v49 =	vadd.s32 v60, v63;
	v52 =	vld.idx.msk [tilespmem:v52+s8+$0x0], $0xffff  }
0x1c9: {  	v33 =	vmov v59;
	v59 =	vadd.s32 v61, v63;
	v19 =	vmov v61;
	v17 =	vld.idx.msk [tilespmem:v17+s8+$0x0], $0xffff;
	[tilespmem:v4+s0+$0x0] =	vst.idx.msk $0xffff, v43  }
0x1ca: {  	v61 =	vmov v60;
	v36 =	vbroadcast v36, $0x0;
	v60 =	vmul.f32 v55, v0;
	v4 =	vld.idx.msk [tilespmem:v53+s8+$0x0], $0xffff;
	[tilespmem:v45+s0+$0x0] =	vst.idx.msk $0xffff, v38  }
0x1cb: {  	v0 =	vmul.f32 v42, v0;
	v42 =	vmul.f32 v42, v44;
	v45 =	vld.idx.msk [tilespmem:v58+s8+$0x0], $0xffff;
	[tilespmem:v46+s0+$0x0] =	vst.idx.msk $0xffff, v35  }
0x1cc: {  	v44 =	vmul.f32 v55, v44;
	v35 =	vadd.s32 v20, v63;
	v56 =	vld.idx.msk [tilespmem:v56+s8+$0x0], $0xffff;
	[tilespmem:v48+s0+$0x0] =	vst.idx.msk $0xffff, v43  }
0x1cd: {  	v6 =	vld.idx.msk [tilespmem:v6+s8+$0x0], $0xffff;
	v53 =	vmul.f32 v51, v2;
	v2 =	vmul.f32 v10, v2;
	[tilespmem:v49+s0+$0x0] =	vst.idx.msk $0xffff, v38  }
0x1ce: {  	s16 =	sadd.s32 $0x10, s11;
	v46 =	vadd.s32 v22, v36;
	v0 =	vadd.f32 v0, v44;
	v10 =	vmul.f32 v10, v52;
	v49 =	vld.idx.msk [tilespmem:v57+s8+$0x0], $0xffff  }
0x1cf: {  	v63 =	vmov s16;
	[tilespmem:v59+s0+$0x0] =	vst.idx.msk $0xffff, v37;
	v59 =	vmovc v33;
	v33 =	vmovc v31;
	v31 =	vmov v21;
	v21 =	vmov v18;
	v18 =	vld [tilespmem:$0x1FE10]  }
0x1d0: {  	v46 =	vand.u32 $0xFFFFFFF8, v46;
	v63 =	vmul.u32 $0x1B, v63;
	v57 =	vld.idx.msk [tilespmem:v50+s8+$0x0], $0xffff;
	v50 =	vmul.f32 v51, v52  }
0x1d1: {  	v0 =	vadd.f32 v0, v17;
	v10 =	vsub.f32 v53, v10;
	v17 =	vld.idx.msk [tilespmem:v41+s8+$0x0], $0xffff;
	[tilespmem:v35+s0+$0x0] =	vst.idx.msk $0xffff, v43  }
0x1d2: {  	v51 =	vor.u32 v1, v46;
	v63 =	vbroadcast v63, $0x0;
	v46 =	vld.idx.msk [tilespmem:v39+s8+$0x0], $0xffff;
	[tilespmem:v47+s0+$0x0] =	vst.idx.msk $0xffff, v62  }
0x1d3: {  	v25 =	vld [tilespmem:$0x1FF30];
	v6 =	vadd.f32 v14, v6;
	v4 =	vadd.f32 v10, v4;
	[tilespmem:v12+s0+$0x0] =	vst.idx.msk $0xffff, v37  }
0x1d4: {  	v12 =	vadd.s32 v22, v63;
	v14 =	vadd.s32 v18, v36;
	v10 =	vadd.s32 v18, v63;
	v18 =	vld [tilespmem:$0x1FE40]  }
0x1d5: {  	v48 =	vld.idx.msk [tilespmem:v54+s8+$0x0], $0xffff;
	v38 =	vsub.f32 v60, v42  }
0x1d6: {  	v8 =	vld.idx.msk [tilespmem:v8+s8+$0x0], $0xffff  }
0x1d7: {  	v26 =	vld [tilespmem:$0x1FE00];
	v38 =	vadd.f32 v38, v40  }
0x1d8: {  	v2 =	vadd.f32 v2, v50;
	v16 =	vadd.f32 v16, v56;
	v37 =	vadd.s32 v25, v63  }
0x1d9: {  	[tilespmem:v12+s0+$0x0] =	vst.idx.msk $0xffff, v4;
	v56 =	vadd.s32 v18, v36;
	v12 =	vadd.s32 v18, v63;
	v18 =	vld [tilespmem:$0x1FE60]  }
0x1da: {  	v39 =	vadd.f32 v0, v48  }
0x1db: {  	v47 =	vsub.f32 v38, v8;
	v2 =	vadd.f32 v2, v45  }
0x1dc: {  	v42 =	vsub.f32 v0, v48;
	v41 =	vadd.f32 v38, v8;
	v8 =	vadd.s32 v26, v63  }
0x1dd: {  	v20 =	vld [tilespmem:$0x1FF90];
	[tilespmem:v51+s0+$0x0] =	vst.idx.msk $0xffff, v38;
	v62 =	vadd.f32 v2, v46;
	v38 =	vsub.f32 v2, v46  }
0x1de: {  	[tilespmem:v37+s0+$0x0] =	vst.idx.msk $0xffff, v2;
	v48 =	vadd.s32 v18, v63;
	v2 =	vadd.s32 v18, v36;
	v18 =	vld [tilespmem:$0x1FE80];
	_ =	sdelay $0x3  }
0x1df: {  	v54 =	vadd.s32 v20, v36  }
0x1e0: {  	v43 =	vand.u32 $0xFFFFFFF8, v54;
	[tilespmem:v8+s0+$0x0] =	vst.idx.msk $0xffff, v16;
	v8 =	vadd.s32 v18, v63;
	v54 =	vadd.s32 v18, v36;
	v18 =	vld [tilespmem:$0x1FEA0];
	_ =	sdelay $0x1  }
0x1e1: {  	v40 =	vadd.f32 v6, v57;
	v44 =	vsub.f32 v6, v57;
	v57 =	vadd.s32 v20, v63  }
0x1e2: {  	v51 =	vsub.f32 v4, v17;
	_ =	sdelay $0x1  }
0x1e3: {  	v50 =	vand.u32 $0xFFFFFFF8, v56;
	[tilespmem:v10+s0+$0x0] =	vst.idx.msk $0xffff, v51;
	v10 =	vadd.s32 v18, v63;
	v56 =	vadd.s32 v18, v36;
	v18 =	vld [tilespmem:$0x1FEB0]  }
0x1e4: {  	v58 =	vadd.s32 v25, v36  }
0x1e5: {  	v58 =	vand.u32 $0xFFFFFFF8, v58;
	v35 =	vsub.f32 v16, v49;
	[tilespmem:v57+s0+$0x0] =	vst.idx.msk $0xffff, v62;
	v57 =	vadd.s32 v27, v36  }
0x1e6: {  	v53 =	vand.u32 $0xFFFFFFF8, v54;
	v54 =	vand.u32 $0xFFFFFFF8, v57;
	v57 =	vor.u32 v3, v58;
	_ =	sdelay $0x1  }
0x1e7: {  	v55 =	vadd.s32 v26, v36;
	[tilespmem:v12+s0+$0x0] =	vst.idx.msk $0xffff, v35;
	v45 =	vadd.s32 v18, v63  }
0x1e8: {  	v12 =	vadd.s32 v27, v63;
	[tilespmem:v48+s0+$0x0] =	vst.idx.msk $0xffff, v51;
	v58 =	vand.u32 $0xFFFFFFF8, v55  }
0x1e9: {  	v46 =	vadd.s32 v32, v63;
	v55 =	vor.u32 v5, v58;
	[tilespmem:v8+s0+$0x0] =	vst.idx.msk $0xffff, v38  }
0x1ea: {  	v37 =	vadd.f32 v16, v49;
	v48 =	vadd.s32 v28, v63;
	[tilespmem:v57+s0+$0x0] =	vst.idx.msk $0xffff, v0  }
0x1eb: {  	v49 =	vadd.s32 v7, v63;
	v2 =	vand.u32 $0xFFFFFFF8, v2;
	v8 =	vadd.s32 v29, v63;
	[tilespmem:v10+s0+$0x0] =	vst.idx.msk $0xffff, v35  }
0x1ec: {  	v14 =	vand.u32 $0xFFFFFFF8, v14;
	v52 =	vor.u32 v15, v2;
	v10 =	vadd.s32 v30, v63;
	[tilespmem:v45+s0+$0x0] =	vst.idx.msk $0xffff, v51  }
0x1ed: {  	s12 =	sadd.s32 $0x2, s12;
	v58 =	vadd.s32 v30, v36;
	[tilespmem:v12+s0+$0x0] =	vst.idx.msk $0xffff, v38;
	v12 =	vor.u32 v9, v14  }
0x1ee: {  	p0 =	slt.u32 s12, $0x16;
	v56 =	vand.u32 $0xFFFFFFF8, v56;
	v0 =	vadd.s32 v28, v36;
	[tilespmem:v55+s0+$0x0] =	vst.idx.msk $0xffff, v6;
	v14 =	vor.u32 v11, v43  }
.Ltmp6:
0x1ef: {  	v55 =	vor.u32 v1, v56;
	v56 =	vand.u32 $0xFFFFFFF8, v0;
	v0 =	vadd.s32 v29, v36;
	[tilespmem:v48+s0+$0x0] =	vst.idx.msk $0xffff, v37;
	(pc) =	sbr.rel @p0 .LBB2_6-.Ltmp6, $4  }
0x1f0: {  	v60 =	vmov v61;
	v16 =	vadd.s32 v18, v36;
	v45 =	vadd.s32 v23, v63;
	[tilespmem:v8+s0+$0x0] =	vst.idx.msk $0xffff, v51  }
0x1f1: {  	v61 =	vmov v19;
	v43 =	vadd.f32 v4, v17;
	v48 =	vadd.s32 v24, v63;
	[tilespmem:v10+s0+$0x0] =	vst.idx.msk $0xffff, v62  }
0x1f2: {  	v16 =	vand.u32 $0xFFFFFFF8, v16;
	v51 =	vor.u32 v13, v50;
	v50 =	vor.u32 v5, v54;
	[tilespmem:v12+s0+$0x0] =	vst.idx.msk $0xffff, v47  }
0x1f3: {  	s15 =	sadd.s32 $0x20, s15;
	s14 =	sadd.s32 $0x20, s14;
	s13 =	sadd.s32 $0x20, s13;
	v19 =	vld [tilespmem:$0x1FF20];
	v57 =	vand.u32 $0xFFFFFFF8, v0;
	v54 =	vor.u32 v34, v53;
	v53 =	vor.u32 v3, v16;
	[tilespmem:v14+s0+$0x0] =	vst.idx.msk $0xffff, v39  }
0x1f4: {  	_ =	sdelay $0x3  }
0x1f5: {  	[tilespmem:v51+s0+$0x0] =	vst.idx.msk $0xffff, v44  }
0x1f6: {  	[tilespmem:v52+s0+$0x0] =	vst.idx.msk $0xffff, v47  }
0x1f7: {  	[tilespmem:v54+s0+$0x0] =	vst.idx.msk $0xffff, v42  }
0x1f8: {  	v20 =	vld [tilespmem:$0x1FFB0];
	[tilespmem:v55+s0+$0x0] =	vst.idx.msk $0xffff, v44  }
0x1f9: {  	[tilespmem:v53+s0+$0x0] =	vst.idx.msk $0xffff, v47  }
0x1fa: {  	v22 =	vld [tilespmem:$0x1FFD0];
	_ =	sdelay $0x1  }
0x1fb: {  	v0 =	vor.u32 v9, v56  }
0x1fc: {  	v4 =	vor.u32 v11, v57;
	v6 =	vand.u32 $0xFFFFFFF8, v58;
	v2 =	vadd.s32 v20, v36  }
0x1fd: {  	v8 =	vadd.s32 v32, v36;
	v6 =	vor.u32 v13, v6;
	v2 =	vand.u32 $0xFFFFFFF8, v2  }
0x1fe: {  	v8 =	vand.u32 $0xFFFFFFF8, v8;
	v10 =	vadd.s32 v22, v36;
	v2 =	vor.u32 v15, v2  }
0x1ff: {  	v12 =	vadd.s32 v7, v36;
	v8 =	vor.u32 v34, v8;
	[tilespmem:v50+s0+$0x0] =	vst.idx.msk $0xffff, v42;
	v10 =	vand.u32 $0xFFFFFFF8, v10  }
0x200: {  	v12 =	vand.u32 $0xFFFFFFF8, v12;
	[tilespmem:v0+s0+$0x0] =	vst.idx.msk $0xffff, v40;
	v0 =	vadd.s32 v59, v36;
	v10 =	vor.u32 v1, v10  }
0x201: {  	v12 =	vor.u32 v3, v12;
	[tilespmem:v4+s0+$0x0] =	vst.idx.msk $0xffff, v47;
	v0 =	vand.u32 $0xFFFFFFF8, v0;
	v4 =	vadd.s32 v33, v36  }
0x202: {  	v4 =	vand.u32 $0xFFFFFFF8, v4;
	[tilespmem:v6+s0+$0x0] =	vst.idx.msk $0xffff, v39;
	v0 =	vor.u32 v5, v0  }
0x203: {  	v4 =	vor.u32 v9, v4;
	[tilespmem:v2+s0+$0x0] =	vst.idx.msk $0xffff, v40  }
0x204: {  	[tilespmem:v8+s0+$0x0] =	vst.idx.msk $0xffff, v41  }
0x205: {  	[tilespmem:v10+s0+$0x0] =	vst.idx.msk $0xffff, v39  }
0x206: {  	[tilespmem:v12+s0+$0x0] =	vst.idx.msk $0xffff, v44  }
0x207: {  	v6 =	vadd.s32 v31, v36;
	v9 =	vld [tilespmem:$0x1FFF0];
	[tilespmem:v0+s0+$0x0] =	vst.idx.msk $0xffff, v41  }
0x208: {  	v6 =	vand.u32 $0xFFFFFFF8, v6;
	[tilespmem:v4+s0+$0x0] =	vst.idx.msk $0xffff, v42  }
0x209: {  	v6 =	vor.u32 v11, v6;
	v2 =	vadd.s32 v21, v36;
	v18 =	vld [tilespmem:$0x1FFE0]  }
0x20a: {  	v2 =	vand.u32 $0xFFFFFFF8, v2;
	v8 =	vadd.s32 v60, v36  }
0x20b: {  	v8 =	vand.u32 $0xFFFFFFF8, v8;
	v10 =	vadd.s32 v61, v36;
	v2 =	vor.u32 v13, v2  }
0x20c: {  	v10 =	vand.u32 $0xFFFFFFF8, v10;
	v8 =	vor.u32 v15, v8;
	v57 =	vadd.s32 v9, v36  }
0x20d: {  	v0 =	vadd.s32 v19, v36;
	v10 =	vor.u32 v34, v10;
	v12 =	vand.u32 $0xFFFFFFF8, v57  }
0x20e: {  	v0 =	vand.u32 $0xFFFFFFF8, v0;
	[tilespmem:v6+s0+$0x0] =	vst.idx.msk $0xffff, v44;
	v4 =	vadd.s32 v18, v36;
	v12 =	vor.u32 v1, v12  }
0x20f: {  	v0 =	vor.u32 v3, v0;
	[tilespmem:v45+s0+$0x0] =	vst.idx.msk $0xffff, v37;
	v4 =	vand.u32 $0xFFFFFFF8, v4  }
0x210: {  	[tilespmem:v2+s0+$0x0] =	vst.idx.msk $0xffff, v41;
	v2 =	vor.u32 v5, v4  }
0x211: {  	[tilespmem:v8+s0+$0x0] =	vst.idx.msk $0xffff, v42  }
0x212: {  	[tilespmem:v10+s0+$0x0] =	vst.idx.msk $0xffff, v40  }
0x213: {  	[tilespmem:v12+s0+$0x0] =	vst.idx.msk $0xffff, v41  }
0x214: {  	[tilespmem:v0+s0+$0x0] =	vst.idx.msk $0xffff, v39;
	v0 =	vadd.s32 v59, v63  }
0x215: {  	[tilespmem:v2+s0+$0x0] =	vst.idx.msk $0xffff, v40;
	v2 =	vadd.s32 v33, v63  }
0x216: {  	[tilespmem:v46+s0+$0x0] =	vst.idx.msk $0xffff, v43;
	v4 =	vadd.s32 v31, v63  }
0x217: {  	v6 =	vadd.s32 v21, v63;
	[tilespmem:v48+s0+$0x0] =	vst.idx.msk $0xffff, v62  }
0x218: {  	v8 =	vadd.s32 v60, v63;
	[tilespmem:v49+s0+$0x0] =	vst.idx.msk $0xffff, v35  }
0x219: {  	v10 =	vadd.s32 v61, v63;
	[tilespmem:v0+s0+$0x0] =	vst.idx.msk $0xffff, v43  }
0x21a: {  	v0 =	vadd.s32 v9, v63;
	[tilespmem:v2+s0+$0x0] =	vst.idx.msk $0xffff, v38  }
0x21b: {  	v2 =	vadd.s32 v19, v63;
	[tilespmem:v4+s0+$0x0] =	vst.idx.msk $0xffff, v35  }
0x21c: {  	v4 =	vadd.s32 v18, v63;
	[tilespmem:v6+s0+$0x0] =	vst.idx.msk $0xffff, v43  }
0x21d: {  	[tilespmem:v8+s0+$0x0] =	vst.idx.msk $0xffff, v38  }
0x21e: {  	[tilespmem:v10+s0+$0x0] =	vst.idx.msk $0xffff, v37  }
0x21f: {  	[tilespmem:v0+s0+$0x0] =	vst.idx.msk $0xffff, v43  }
0x220: {  	[tilespmem:v2+s0+$0x0] =	vst.idx.msk $0xffff, v62  }
0x221: {  	[tilespmem:v4+s0+$0x0] =	vst.idx.msk $0xffff, v37  }
0x222: {  	v0 =	vld [tilespmem:$0x13B90];
	_ =	sdelay $0x4  }
0x223: {  	v2 =	vadd.s32 $0x2710, v0;
	_ =	sdelay $0x1  }
0x224: {  	v10 =	vld [tilespmem:$0x13EB0]  }
0x225: {  	v14 =	vld [tilespmem:$0x141D0]  }
0x226: {  	v6 =	vadd.s32 $0x4E20, v0;
	v4 =	vld.idx.msk [tilespmem:v0+s8+$0x0], $0xffff  }
0x227: {  	v8 =	vadd.s32 $0x7530, v0;
	v2 =	vld.idx.msk [tilespmem:v2+s8+$0x0], $0xffff  }
0x228: {  	v58 =	vadd.s32 $0x9C40, v0  }
0x229: {  	v16 =	vadd.s32 $0xC350, v0  }
0x22a: {  	v7 =	vld [tilespmem:$0x1FDF0];
	v17 =	vadd.s32 $0xEA60, v0;
	v0 =	vadd.s32 $0x11170, v0  }
0x22b: {  	v6 =	vld.idx.msk [tilespmem:v6+s8+$0x0], $0xffff  }
0x22c: {  	v8 =	vld.idx.msk [tilespmem:v8+s8+$0x0], $0xffff;
	v59 =	vmul.f32 v10, v4;
	v60 =	vmul.f32 v14, v2  }
0x22d: {  	v12 =	vld.idx.msk [tilespmem:v58+s8+$0x0], $0xffff  }
0x22e: {  	v16 =	vld.idx.msk [tilespmem:v16+s8+$0x0], $0xffff;
	v61 =	vsub.f32 v59, v60  }
0x22f: {  	v4 =	vmul.f32 v14, v4;
	v0 =	vld.idx.msk [tilespmem:v0+s8+$0x0], $0xffff;
	v2 =	vmul.f32 v10, v2  }
0x230: {  	v10 =	vld [tilespmem:$0x144F0];
	v6 =	vadd.f32 v61, v6  }
0x231: {  	v2 =	vadd.f32 v4, v2;
	v4 =	vld.idx.msk [tilespmem:v17+s8+$0x0], $0xffff  }
0x232: {  	[tilespmem:v7+s0+$0x0] =	vst.idx.msk $0xffff, v6;
	v7 =	vld [tilespmem:$0x1FDE0];
	_ =	sdelay $0x5  }
0x233: {  	v2 =	vadd.f32 v2, v8;
	_ =	sdelay $0x1  }
0x234: {  	[tilespmem:v7+s0+$0x0] =	vst.idx.msk $0xffff, v2;
	v7 =	vld [tilespmem:$0x1FDD0];
	_ =	sdelay $0x5  }
0x235: {  	v8 =	vadd.f32 v10, v12;
	_ =	sdelay $0x1  }
0x236: {  	[tilespmem:v7+s0+$0x0] =	vst.idx.msk $0xffff, v8;
	v7 =	vld [tilespmem:$0x1FDC0];
	_ =	sdelay $0x5  }
0x237: {  	v10 =	vsub.f32 v6, v16;
	_ =	sdelay $0x1  }
0x238: {  	[tilespmem:v7+s0+$0x0] =	vst.idx.msk $0xffff, v10;
	v7 =	vld [tilespmem:$0x1FDB0]  }
0x239: {  	v62 =	vadd.f32 v2, v4;
	v2 =	vsub.f32 v2, v4;
	v4 =	vld [tilespmem:$0x1FDA0];
	_ =	sdelay $0x5  }
0x23a: {  	v63 =	vsub.f32 v8, v0  }
0x23b: {  	[tilespmem:v7+s0+$0x0] =	vst.idx.msk $0xffff, v62  }
0x23c: {  	[tilespmem:v4+s0+$0x0] =	vst.idx.msk $0xffff, v63;
	v4 =	vld [tilespmem:$0x1FD90];
	_ =	sdelay $0x7  }
0x23d: {  	[tilespmem:v4+s0+$0x0] =	vst.idx.msk $0xffff, v10;
	v4 =	vld [tilespmem:$0x1FD80];
	_ =	sdelay $0x7  }
0x23e: {  	[tilespmem:v4+s0+$0x0] =	vst.idx.msk $0xffff, v2;
	v4 =	vld [tilespmem:$0x1FD70];
	_ =	sdelay $0x7  }
0x23f: {  	[tilespmem:v4+s0+$0x0] =	vst.idx.msk $0xffff, v63;
	v4 =	vld [tilespmem:$0x1FD60];
	_ =	sdelay $0x7  }
0x240: {  	[tilespmem:v4+s0+$0x0] =	vst.idx.msk $0xffff, v10;
	v4 =	vld [tilespmem:$0x1FD50];
	_ =	sdelay $0x7  }
0x241: {  	[tilespmem:v4+s0+$0x0] =	vst.idx.msk $0xffff, v2;
	v4 =	vld [tilespmem:$0x1FD40];
	_ =	sdelay $0x5  }
0x242: {  	v0 =	vadd.f32 v8, v0;
	_ =	sdelay $0x1  }
0x243: {  	[tilespmem:v4+s0+$0x0] =	vst.idx.msk $0xffff, v0;
	v4 =	vld [tilespmem:$0x1FD30];
	_ =	sdelay $0x7  }
0x244: {  	[tilespmem:v4+s0+$0x0] =	vst.idx.msk $0xffff, v10;
	v4 =	vadd.f32 v6, v16;
	v6 =	vld [tilespmem:$0x1FD20];
	_ =	sdelay $0x7  }
0x245: {  	[tilespmem:v6+s0+$0x0] =	vst.idx.msk $0xffff, v62;
	v6 =	vld [tilespmem:$0x1FD10];
	_ =	sdelay $0x7  }
0x246: {  	[tilespmem:v6+s0+$0x0] =	vst.idx.msk $0xffff, v0;
	v6 =	vld [tilespmem:$0x1FD00];
	_ =	sdelay $0x7  }
0x247: {  	[tilespmem:v6+s0+$0x0] =	vst.idx.msk $0xffff, v4;
	v6 =	vld [tilespmem:$0x1FCF0];
	_ =	sdelay $0x7  }
0x248: {  	[tilespmem:v6+s0+$0x0] =	vst.idx.msk $0xffff, v62;
	v6 =	vld [tilespmem:$0x1FCE0];
	_ =	sdelay $0x7  }
0x249: {  	[tilespmem:v6+s0+$0x0] =	vst.idx.msk $0xffff, v63;
	v6 =	vld [tilespmem:$0x1FCD0];
	_ =	sdelay $0x7  }
0x24a: {  	[tilespmem:v6+s0+$0x0] =	vst.idx.msk $0xffff, v4;
	v6 =	vld [tilespmem:$0x1FCC0];
	_ =	sdelay $0x7  }
0x24b: {  	[tilespmem:v6+s0+$0x0] =	vst.idx.msk $0xffff, v2;
	v6 =	vld [tilespmem:$0x1FCB0];
	_ =	sdelay $0x7  }
0x24c: {  	[tilespmem:v6+s0+$0x0] =	vst.idx.msk $0xffff, v63;
	v6 =	vld [tilespmem:$0x1FCA0];
	_ =	sdelay $0x7  }
0x24d: {  	[tilespmem:v6+s0+$0x0] =	vst.idx.msk $0xffff, v4;
	v6 =	vld [tilespmem:$0x1FC70];
	_ =	sdelay $0x7  }
0x24e: {  	[tilespmem:v6+s0+$0x0] =	vst.idx.msk $0xffff, v2;
	v2 =	vld [tilespmem:$0x1FC60];
	_ =	sdelay $0x7  }
0x24f: {  	[tilespmem:v2+s0+$0x0] =	vst.idx.msk $0xffff, v0;
	v2 =	vld [tilespmem:$0x1FC50];
	_ =	sdelay $0x7  }
0x250: {  	[tilespmem:v2+s0+$0x0] =	vst.idx.msk $0xffff, v4;
	v2 =	vld [tilespmem:$0x1FC90];
	_ =	sdelay $0x7  }
0x251: {  	[tilespmem:v2+s0+$0x0] =	vst.idx.msk $0xffff, v62;
	v2 =	vld [tilespmem:$0x1FC80];
	_ =	sdelay $0x3  }
0x252: {  	s11 =	sadd.s32 $0x3, s26  }
0x253: {  	p0 =	sgt.u32 s11, s10  }
0x254: {  	s12 =	smul.u32 $0x546, s28;
	s11 =	sshll.u32 @!p0 s11, $0x5  }
0x255: {  	s11 =	sor.u32 @!p0 s9, s11  }
0x256: {  	s12 =	sadd.s32 s6, s12;
	s11 =	smul.u32 @!p0 $0x32, s11;
	[tilespmem:v2+s0+$0x0] =	vst.idx.msk $0xffff, v0  }
0x257: {  	[hbm4b:s12+s8] =	stream.linear.scatter [tilespmem:s0], [sflag:$0x4], $0x2A30, $0x38;
	[tilespmem:$0x19960] =	vst v63  }
0x258: {  	s13 =	simm.s32 @!p0 $0x0;
	s14 =	simm.s32 @!p0 $0x13A10;
	s12 =	sadd.s32 @!p0 s5, s11  }
0x259: {  	[tilespmem:s14], [sflag:$0x2] =	stream.linear.gather @!p0 [hbm4b:s12+s13], $0x190, $0x38;
	[tilespmem:$0x19960] =	vst v63  }
0x25a: {  	s12 =	sadd.s32 @!p0 s1, s11;
	s14 =	simm.s32 @!p0 $0x13D30  }
0x25b: {  	[tilespmem:s14], [sflag:$0x2] =	stream.linear.gather @!p0 [hbm4b:s12+s13], $0x190, $0x38;
	[tilespmem:$0x19960] =	vst v63  }
.Ltmp7:
0x25c: {  	_ = 	snop;
	(pc) =	sbr.rel .LBB2_8-.Ltmp7, $4  }
0x25d: {  	s12 =	sadd.s32 @!p0 s2, s11;
	s14 =	simm.s32 @!p0 $0x14050  }
0x25e: {  	[tilespmem:s14], [sflag:$0x2] =	stream.linear.gather @!p0 [hbm4b:s12+s13], $0x190, $0x38;
	[tilespmem:$0x19960] =	vst v63  }
0x25f: {  	v29 =	vld [tilespmem:$0x1FF80];
	s11 =	sadd.s32 @!p0 s3, s11;
	s12 =	simm.s32 @!p0 $0x14370  }
0x260: {  	v9 =	vmov v20;
	v7 =	vmov v22;
	v22 =	vld [tilespmem:$0x1FF90];
	[tilespmem:s12], [sflag:$0x2] =	stream.linear.gather @!p0 [hbm4b:s11+s13], $0x190, $0x38  }
.LBB2_10:
0x261: {  	_ =	sfence.sel $0x180000  }
0x262: {  	[bflag:$0x0] =	sbarrier.arrive $0xFFFF  }
0x263: {  	_ =	strace $0x90000047  }
0x264: {  	s0 =	stileid.u32;
	[bflag:$0x2] =	sbarrier.arrive $0xFFFF  }
0x265: {  	p0 =	sne.s32 s0, $0x0;
	s0 =	rddreg [dreg:$0x6]  }
0x266: {  	s0 =	sadd.s32 @!p0 $0x100000, s0  }
0x267: {  	[sflag:s0] =	ssyncadd.tile.s32 @!p0 $0x1;
	_ =	shalt  }
.Lfunc_end2:
_tile_overlayer_lowered:
.L_overlay_start_2:
0x268: {  	(tag) =	ssettag $0x2  }
0x269: {  	s0 =	rddreg [dreg:$0x0];
	s2 =	stileid.u32  }
0x26a: {  	s1 =	rddreg [dreg:$0x1];
	p0 =	sne.s32 s2, $0x0  }
0x26b: {  	s3 =	rddreg [dreg:$0x2];
	[bflag:$0x3] =	sbarrier.arrive $0xFFFF;
	s2 =	simm.s32 @!p0 $0x1C05  }
0x26c: {  	[timem:s3], [sflag:s2] =	dma.local @!p0 [hbm:s0], s1  }
0x26d: {  	s0 =	simm.s32 @!p0 $0x5  }
0x26e: {  	_ =	swait.ge @!p0 [sflag:s0], s1  }
0x26f: {  	s1 =	ssub.s32 @!p0 $0x0, s1;
	[sflag:s0] =	ssyncset.done @!p0 $0x0  }
0x270: {  	[sflag:s0] =	ssyncadd.s32 @!p0 s1  }
0x271: {  	[bflag:$0x3] =	sbarrier.arrive $0xFFFF  }
0x272: {  	_ =	shalt  }

</sc_bundles>
